<compile_context>
chip_gen: v7x
topology: tpu7x:2x2x1
jax: 0.10.2.dev20260603
libtpu: 0.0.44.dev20260713+nightly
codegen_flags: <defaults>
</compile_context>

<pallas_src>
import functools

import jax
import jax.numpy as jnp
from jax import lax
from jax.experimental import pallas as pl
from jax.experimental.pallas import tpu as pltpu
from jax.experimental.pallas import tpu_sc as plsc

N = 50000
NPAD = 51200
JB = 2048
NJB = NPAD // JB
NI = 20
NBINS = 512
DUMP = 120 * NBINS
HWORDS = 121 * NBINS
HROW = 128 * NBINS
BIGENC = 1 << 30

_NT = 16
_W = NI * NPAD // 2
_CHUNK = 4000
_NCHUNK = _W // _NT // _CHUNK


def _ab_body(pts_ref, emb_ref, t_ref, sem_ref,
             sums_ref, x_ref, enc_ref, idx_ref, c_scr):
    phase = pl.program_id(1)
    jstep = pl.program_id(2)
    emb = pts_ref[...] + emb_ref[...]
    t = t_ref[...]
    sem = sem_ref[...]
    irow = lax.broadcasted_iota(jnp.int32, (32, JB), 0)

    @pl.when(phase == 0)
    def _():
        ohb = t == irow
        oh = ohb.astype(jnp.float32)
        ohsem = (sem == lax.broadcasted_iota(jnp.int32, (8, JB), 0)
                 ).astype(jnp.float32)

        sums_p = lax.dot_general(oh, emb, (((1,), (1,)), ((), ())),
                                 preferred_element_type=jnp.float32)
        x_p = lax.dot_general(oh, ohsem, (((1,), (1,)), ((), ())),
                              preferred_element_type=jnp.float32)

        jglob = jstep * JB + lax.broadcasted_iota(jnp.int32, (1, JB), 1)
        encv = jglob * 8 + sem
        enc = jnp.where(ohb, jnp.broadcast_to(encv, (32, JB)), BIGENC)
        enc_p = jnp.broadcast_to(jnp.min(enc, axis=1, keepdims=True), (32, 8))

        @pl.when(jstep == 0)
        def _():
            sums_ref[...] = jnp.zeros_like(sums_ref)
            x_ref[...] = jnp.zeros_like(x_ref)
            enc_ref[...] = jnp.full_like(enc_ref, BIGENC)

        sums_ref[...] += sums_p
        x_ref[...] += x_p
        enc_ref[...] = jnp.minimum(enc_ref[...], enc_p)

    @pl.when(phase == 1)
    def _():
        @pl.when(jstep == 0)
        def _():
            cnt = jnp.sum(x_ref[...], axis=1, keepdims=True)
            c_scr[...] = sums_ref[...] / jnp.maximum(cnt, 1.0)

        xx = emb[0:1, :]
        yy = emb[1:2, :]
        zz = emb[2:3, :]
        cx = c_scr[:, 0:1]
        cy = c_scr[:, 1:2]
        cz = c_scr[:, 2:3]

        jlane = lax.broadcasted_iota(jnp.int32, (32, JB), 1)
        dlane = (jlane & 15) + (((jlane >> 10) & 1) << 4)

        d2 = (xx - cx) ** 2 + (yy - cy) ** 2 + (zz - cz) ** 2
        m = jnp.exp(-d2)
        yb = t == irow
        e = jnp.where(yb, 1.0 - m, m)
        k = jnp.clip(jnp.floor(e * NBINS).astype(jnp.int32), 0, NBINS - 1)
        row = (jnp.where(yb, 3, 0) + (sem - 1)) * NI + irow
        idx = row * NBINS + k
        bad = (sem < 1) | (sem > 3) | (k == 0) | (t < 0) | (irow >= NI)
        idx = jnp.where(bad, DUMP + dlane, idx)
        lo = idx[:, 0:JB // 2]
        hi = idx[:, JB // 2:JB]
        packed = lo | (hi << 16)
        idx_ref[...] = packed[0:NI, :]


def _hist_tile(idx_ref, out_ref, hist_ref, buf_ref, sem0, sem1):
    c = lax.axis_index("c")
    s = lax.axis_index("s")
    tile = c * _NT + s
    base = c * _W + s * (_NCHUNK * _CHUNK)
    zeros = jnp.zeros((16,), jnp.int32)
    ones = jnp.ones((16,), jnp.int32)
    sems = (sem0, sem1)

    def _start(ch, u):
        pltpu.async_copy(
            idx_ref.at[pl.ds(base + ch * _CHUNK, _CHUNK)],
            buf_ref.at[pl.ds(u * _CHUNK, _CHUNK)], sems[u])

    def _wait(ch, u):
        pltpu.make_async_copy(
            idx_ref.at[pl.ds(base + ch * _CHUNK, _CHUNK)],
            buf_ref.at[pl.ds(u * _CHUNK, _CHUNK)], sems[u]).wait()

    def _scatter(u):
        def _vec(v, _):
            for q in range(5):
                w = buf_ref[pl.ds(u * _CHUNK + (v * 5 + q) * 16, 16)]
                plsc.addupdate_scatter(hist_ref, [w & 0xFFFF], ones)
                plsc.addupdate_scatter(
                    hist_ref, [lax.shift_right_logical(w, 16)], ones)
            return 0

        lax.fori_loop(0, _CHUNK // 16 // 5, _vec, 0)

    _start(0, 0)
    _start(1, 1)

    def _zero(i, _):
        for u in range(4):
            hist_ref[pl.ds(i * 64 + u * 16, 16)] = zeros
        return 0

    lax.fori_loop(0, HWORDS // 64, _zero, 0)

    def _outer(g, _):
        for u in range(2):
            ch = g * 2 + u
            _wait(ch, u)
            _scatter(u)
            nxt = jnp.minimum(ch + 2, _NCHUNK - 1)
            _start(nxt, u)
        return 0

    lax.fori_loop(0, _NCHUNK // 2, _outer, 0)
    _wait(_NCHUNK - 1, 0)
    _wait(_NCHUNK - 1, 1)
    pltpu.sync_copy(hist_ref, out_ref.at[pl.ds(tile * HROW, HWORDS)])


def _sc_histogram(idx2):
    mesh = plsc.VectorSubcoreMesh(core_axis_name="c", subcore_axis_name="s")
    return pl.kernel(
        _hist_tile,
        out_type=jax.ShapeDtypeStruct((2 * _NT * HROW,), jnp.int32),
        mesh=mesh,
        compiler_params=pltpu.CompilerParams(needs_layout_passes=False),
        scratch_types=[
            pltpu.VMEM((HWORDS,), jnp.int32),
            pltpu.VMEM((2 * _CHUNK,), jnp.int32),
            pltpu.SemaphoreType.DMA,
            pltpu.SemaphoreType.DMA,
        ],
    )(idx2)


def _loss_body(h_ref, c_ref, out_ref, stat_ref):
    b = pl.program_id(0)
    acc = h_ref[0, 0].astype(jnp.float32)
    for kq in range(1, _NT):
        acc += h_ref[0, kq].astype(jnp.float32)

    r1 = lax.broadcasted_iota(jnp.int32, (NBINS, NBINS), 0)
    r2 = lax.broadcasted_iota(jnp.int32, (NBINS, NBINS), 1)
    tri = (r1 <= r2).astype(jnp.float32)
    suf = lax.dot_general(acc, tri, (((1,), (1,)), ((), ())),
                          preferred_element_type=jnp.float32)
    p1 = lax.broadcasted_iota(jnp.int32, (128, 128), 0)
    p2 = lax.broadcasted_iota(jnp.int32, (128, 128), 1)
    sel = (p2 == p1 + 60).astype(jnp.float32)
    sufp = lax.dot_general(sel, suf, (((1,), (0,)), ((), ())),
                           preferred_element_type=jnp.float32)

    pcnt = c_ref[:, 0:1]
    outpos = c_ref[:, 1:2]
    validc = c_ref[:, 2:3]
    j0 = c_ref[:, 3:4]
    psuf = sufp + outpos
    den = pcnt + suf
    jac = jnp.where(den > 0.0,
                    1.0 - (pcnt - psuf) / jnp.maximum(den, 1.0), 0.0)
    kmask = (lax.broadcasted_iota(jnp.int32, (128, NBINS), 1) >= 1)
    jsum = jnp.sum(jnp.where(kmask, jac, 0.0), axis=1, keepdims=True)
    loss_row = (j0 + jsum) * (1.0 / NBINS)
    tot = jnp.sum(loss_row * validc)
    cntv = jnp.sum(validc)

    @pl.when(b == 0)
    def _():
        stat_ref[0] = tot
        stat_ref[1] = cntv

    @pl.when(b == 1)
    def _():
        tt = stat_ref[0] + tot
        cc = stat_ref[1] + cntv
        val = jnp.where(cc > 0.0, tt / jnp.maximum(cc, 1.0), 0.0)
        out_ref[...] = jnp.full((8, 128), val, jnp.float32)


def kernel(points, target, sem_target, embeddings):
    f32 = jnp.float32
    ptsT = jnp.pad(points.transpose(0, 2, 1), ((0, 0), (0, 5), (0, NPAD - N)))
    embT = jnp.pad(embeddings.transpose(0, 2, 1),
                   ((0, 0), (0, 5), (0, NPAD - N)))
    t3 = jnp.pad(target[..., 0].astype(jnp.int32), ((0, 0), (0, NPAD - N)),
                 constant_values=-1).reshape(2, 1, NPAD)
    s3 = jnp.pad(sem_target[..., 0].astype(jnp.int32),
                 ((0, 0), (0, NPAD - N))).reshape(2, 1, NPAD)

    vblock = lambda r: pl.BlockSpec((None, r, JB), lambda b, p, j: (b, 0, j))
    tiny = lambda: pl.BlockSpec((None, 32, 8), lambda b, p, j: (b, 0, 0))
    sums, xtab, enc, idx = pl.pallas_call(
        _ab_body,
        grid=(2, 2, NJB),
        in_specs=[vblock(8), vblock(8), vblock(1), vblock(1)],
        out_specs=[tiny(), tiny(), tiny(),
                   pl.BlockSpec((None, NI, JB // 2), lambda b, p, j: (b, 0, j))],
        out_shape=[
            jax.ShapeDtypeStruct((2, 32, 8), f32),
            jax.ShapeDtypeStruct((2, 32, 8), f32),
            jax.ShapeDtypeStruct((2, 32, 8), jnp.int32),
            jax.ShapeDtypeStruct((2, NI, NPAD // 2), jnp.int32),
        ],
        scratch_shapes=[pltpu.VMEM((32, 8), f32)],
    )(ptsT, embT, t3, s3)

    cnt = xtab.sum(axis=2)[:, :NI]
    xci = xtab[:, :NI, 1:4]
    mc = xtab[:, :NI, 1:4].sum(axis=1)
    semfirst = enc[:, :NI, 0] & 7

    prow = jnp.tile(cnt, (1, 3))
    outpos = prow - xci.transpose(0, 2, 1).reshape(2, 60)
    cls = jnp.repeat(jnp.arange(1, 4), NI)[None, :]
    validr = ((jnp.tile(cnt, (1, 3)) > 0)
              & (jnp.tile(semfirst, (1, 3)) == cls)).astype(f32)
    inclass = jnp.repeat(mc, NI, axis=1) - xci.transpose(0, 2, 1).reshape(2, 60)
    j0 = ((prow + inclass) > 0).astype(f32)
    const = jnp.stack([prow, outpos, validr, j0], axis=2)
    const = jnp.pad(const, ((0, 0), (0, 68), (0, 124)))

    hists = _sc_histogram(idx.reshape(2 * NI * NPAD // 2))
    h4 = hists.reshape(2, _NT, 128, NBINS)

    out = pl.pallas_call(
        _loss_body,
        grid=(2,),
        in_specs=[
            pl.BlockSpec((1, _NT, 128, NBINS), lambda b: (b, 0, 0, 0)),
            pl.BlockSpec((None, 128, 128), lambda b: (b, 0, 0)),
        ],
        out_specs=pl.BlockSpec((8, 128), lambda b: (0, 0)),
        out_shape=jax.ShapeDtypeStruct((8, 128), f32),
        scratch_shapes=[
            pltpu.SMEM((2,), f32),
        ],
    )(h4, const)
    return out[0, 0].reshape(())

# --- scband reference (transcript-rebuilt; emitter-appended) ---
"""Pipeline reference for scband-io-ulovasz-loss-1623497638734 (READ-ONLY COPY).

The authoritative reference and input builder live on the scoring server;
editing this copy changes nothing except your own understanding.
"""

import jax, jax.numpy as jnp
import numpy as np

VARIANCE = 0.5
EMBEDDINGS_ONLY = False
FG_CLASSES = [1, 2, 3]
VOXEL_RESOLUTION = 1
NUM_INSTANCE_IDS = 20


def setup_inputs(seed: int = 0):
    key = jax.random.key(seed)
    k1, k2, k3, k4 = jax.random.split(key, 4)
    points = jax.random.normal(k1, (2, 50000, 3), dtype=jnp.float32)
    target = jax.random.randint(k2, (2, 50000, 1), 0, 20)
    sem_target = jax.random.randint(k3, (2, 50000, 1), 0, 5)
    embeddings = jax.random.normal(k4, (2, 50000, 3), dtype=jnp.float32)
    return {"points": points, "target": target, "sem_target": sem_target, "embeddings": embeddings}


def lovasz_grad(gt_sorted):
    gt_f = gt_sorted.astype(jnp.float32)
    gts = gt_f.sum()
    intersection = gts - jnp.cumsum(gt_f)
    union = gts + jnp.cumsum(1.0 - gt_f)
    jaccard = 1.0 - intersection / union
    jaccard = jnp.concatenate([jaccard[:1], jaccard[1:] - jaccard[:-1]])
    return jaccard


def lovasz_softmax_flat(probas, labels):
    class_pred = probas[:, 0]
    errors = jnp.abs(labels - class_pred)
    perm = jnp.argsort(-errors)
    errors_sorted = errors[perm]
    fg_sorted = labels[perm]
    grad = jax.lax.stop_gradient(lovasz_grad(fg_sorted))
    return jnp.dot(errors_sorted, grad)


def reference(points, target, sem_target, embeddings):
    batch_size = target.shape[0]
    total = jnp.asarray(0.0, dtype=jnp.float32)
    count = jnp.asarray(0.0, dtype=jnp.float32)
    for b in range(batch_size):
        gt = target[b]       # [N, 1]
        st = sem_target[b]   # [N, 1]
        if EMBEDDINGS_ONLY:
            emb = embeddings[b]
        else:
            emb = embeddings[b] + points[b] * VOXEL_RESOLUTION
        for sem_class in FG_CLASSES:
            sem_mask = (st[:, 0] == sem_class).astype(jnp.float32)
            for iid in range(NUM_INSTANCE_IDS):
                mask0 = (gt[:, 0] == iid)  # [N] bool (traced)
                present = mask0.any()
                first_idx = jnp.argmax(mask0)
                sem_instance = st[first_idx, 0]
                valid = present & (sem_instance == sem_class)
                maskf = mask0.astype(jnp.float32)
                cnt = maskf.sum()
                denom = jnp.where(cnt > 0, cnt, 1.0)
                instance_center = (emb * maskf[:, None]).sum(axis=0, keepdims=True) / denom
                delta = instance_center - emb
                dist = jnp.linalg.norm(delta, axis=1)
                soft_mask = jnp.exp(-(dist ** 2) / (2.0 * VARIANCE)) * sem_mask
                labels = maskf
                loss = lovasz_softmax_flat(soft_mask[:, None], labels)
                total = total + jnp.where(valid, loss, 0.0)
                count = count + valid.astype(jnp.float32)
    return jnp.where(count > 0, total / count, jnp.asarray(0.0, dtype=jnp.float32))

if __name__ == "__main__":
    import jax
    _d = setup_inputs()
    print(jax.jit(kernel)(*tuple(_d.values())))

</pallas_src>

<mosaic_0001>
#map = affine_map<(d0, d1) -> (0)>
module attributes {stable_mosaic.version = 14 : i64} {
  func.func @_hist_tile(%arg0: i32, %arg1: i32, %arg2: memref<1024000xi32, #tpu.memory_space<hbm>>, %arg3: memref<2097152xi32, #tpu.memory_space<hbm>>, %arg4: memref<61952xi32, #tpu.memory_space<vmem>>, %arg5: memref<8000xi32, #tpu.memory_space<vmem>>, %arg6: memref<!tpu.dma_semaphore, #tpu.memory_space<semaphore_mem>>, %arg7: memref<!tpu.dma_semaphore, #tpu.memory_space<semaphore_mem>>) attributes {dimension_semantics = [#tpu.dimension_semantics<core_parallel>, #tpu.dimension_semantics<subcore_parallel>], iteration_bounds = array<i64: 2, 16>, scalar_prefetch = 0 : i64, scratch_operands = 4 : i64, tpu.core_type = #tpu.core_type<sc_vector_subcore>, window_params = [{transform_indices = #map}, {transform_indices = #map}]} {
    %mul3A = arith.constant 16 : i32
    %mul3A_0 = arith.muli %arg0, %mul3A : i32
    %add3A = arith.addi %mul3A_0, %arg1 : i32
    %mul3A_1 = arith.constant 512000 : i32
    %mul3A_2 = arith.muli %arg0, %mul3A_1 : i32
    %mul3A_3 = arith.constant 32000 : i32
    %mul3A_4 = arith.muli %arg1, %mul3A_3 : i32
    %add3A_5 = arith.addi %mul3A_2, %mul3A_4 : i32
    %broadcast_in_dim3A = arith.constant 0 : i32
    %broadcast_in_dim3A_6 = vector.broadcast %broadcast_in_dim3A : i32 to vector<16xi32>
    %broadcast_in_dim3A_7 = arith.constant 1 : i32
    %broadcast_in_dim3A_8 = vector.broadcast %broadcast_in_dim3A_7 : i32 to vector<16xi32>
    %add3A_9 = arith.constant 0 : i32
    %add3A_10 = arith.addi %add3A_5, %add3A_9 : i32
    %dma_start3A = arith.constant 0 : i32
    %dma_start3A_11 = tpu.memref_slice %arg5[%dma_start3A] : memref<8000xi32, #tpu.memory_space<vmem>> -> memref<4000xi32, #tpu.memory_space<vmem>>
    %dma_start3A_12 = tpu.memref_slice %arg2[%add3A_10] : memref<1024000xi32, #tpu.memory_space<hbm>> -> memref<4000xi32, #tpu.memory_space<hbm>>
    %dma_start3A_13 = arith.constant 0 : i32
    %dma_start3A_14 = tpu.memref_slice %arg5[%dma_start3A_13] : memref<8000xi32, #tpu.memory_space<vmem>> -> memref<4000xi32, #tpu.memory_space<vmem>>
    %dma_start3A_15 = tpu.memref_slice %arg2[%add3A_10] : memref<1024000xi32, #tpu.memory_space<hbm>> -> memref<4000xi32, #tpu.memory_space<hbm>>
    tpu.enqueue_dma source(%dma_start3A_15 : memref<4000xi32, #tpu.memory_space<hbm>>) target(%dma_start3A_14 : memref<4000xi32, #tpu.memory_space<vmem>>) target_semaphore(%arg6 : memref<!tpu.dma_semaphore, #tpu.memory_space<semaphore_mem>>)
    %add3A_16 = arith.constant 4000 : i32
    %add3A_17 = arith.addi %add3A_5, %add3A_16 : i32
    %dma_start3A_18 = arith.constant 4000 : i32
    %dma_start3A_19 = tpu.memref_slice %arg5[%dma_start3A_18] : memref<8000xi32, #tpu.memory_space<vmem>> -> memref<4000xi32, #tpu.memory_space<vmem>>
    %dma_start3A_20 = tpu.memref_slice %arg2[%add3A_17] : memref<1024000xi32, #tpu.memory_space<hbm>> -> memref<4000xi32, #tpu.memory_space<hbm>>
    %dma_start3A_21 = arith.constant 4000 : i32
    %dma_start3A_22 = tpu.memref_slice %arg5[%dma_start3A_21] : memref<8000xi32, #tpu.memory_space<vmem>> -> memref<4000xi32, #tpu.memory_space<vmem>>
    %dma_start3A_23 = tpu.memref_slice %arg2[%add3A_17] : memref<1024000xi32, #tpu.memory_space<hbm>> -> memref<4000xi32, #tpu.memory_space<hbm>>
    tpu.enqueue_dma source(%dma_start3A_23 : memref<4000xi32, #tpu.memory_space<hbm>>) target(%dma_start3A_22 : memref<4000xi32, #tpu.memory_space<vmem>>) target_semaphore(%arg7 : memref<!tpu.dma_semaphore, #tpu.memory_space<semaphore_mem>>)
    %scan3A = arith.constant 0 : i32
    %scan3A_24 = arith.constant 0 : i32
    %scan3A_25 = arith.constant 968 : i32
    %scan3A_26 = arith.addi %scan3A_24, %scan3A_25 : i32
    %scan3A_27 = arith.constant 1 : i32
    %scan3A_28 = scf.for %scan3A_54 = %scan3A_24 to %scan3A_26 step %scan3A_27 iter_args(%scan3A_55 = %scan3A) -> (i32)  : i32 {
      %mul3A_56 = arith.constant 64 : i32
      %mul3A_57 = arith.muli %scan3A_54, %mul3A_56 : i32
      %add3A_58 = arith.constant 0 : i32
      %add3A_59 = arith.addi %mul3A_57, %add3A_58 : i32
      %swap3A = arith.index_cast %add3A_59 : i32 to index
      %swap3A_60 = tpu.vector_load %arg4[%swap3A] {strides = array<i32>} : memref<61952xi32, #tpu.memory_space<vmem>>, vector<16xi32>,
      tpu.vector_store %arg4[%swap3A], %broadcast_in_dim3A_6 {strides = array<i32>} : memref<61952xi32, #tpu.memory_space<vmem>>, vector<16xi32>,
      %mul3A_61 = arith.constant 64 : i32
      %mul3A_62 = arith.muli %scan3A_54, %mul3A_61 : i32
      %add3A_63 = arith.constant 16 : i32
      %add3A_64 = arith.addi %mul3A_62, %add3A_63 : i32
      %swap3A_65 = arith.index_cast %add3A_64 : i32 to index
      %swap3A_66 = tpu.vector_load %arg4[%swap3A_65] {strides = array<i32>} : memref<61952xi32, #tpu.memory_space<vmem>>, vector<16xi32>,
      tpu.vector_store %arg4[%swap3A_65], %broadcast_in_dim3A_6 {strides = array<i32>} : memref<61952xi32, #tpu.memory_space<vmem>>, vector<16xi32>,
      %mul3A_67 = arith.constant 64 : i32
      %mul3A_68 = arith.muli %scan3A_54, %mul3A_67 : i32
      %add3A_69 = arith.constant 32 : i32
      %add3A_70 = arith.addi %mul3A_68, %add3A_69 : i32
      %swap3A_71 = arith.index_cast %add3A_70 : i32 to index
      %swap3A_72 = tpu.vector_load %arg4[%swap3A_71] {strides = array<i32>} : memref<61952xi32, #tpu.memory_space<vmem>>, vector<16xi32>,
      tpu.vector_store %arg4[%swap3A_71], %broadcast_in_dim3A_6 {strides = array<i32>} : memref<61952xi32, #tpu.memory_space<vmem>>, vector<16xi32>,
      %mul3A_73 = arith.constant 64 : i32
      %mul3A_74 = arith.muli %scan3A_54, %mul3A_73 : i32
      %add3A_75 = arith.constant 48 : i32
      %add3A_76 = arith.addi %mul3A_74, %add3A_75 : i32
      %swap3A_77 = arith.index_cast %add3A_76 : i32 to index
      %swap3A_78 = tpu.vector_load %arg4[%swap3A_77] {strides = array<i32>} : memref<61952xi32, #tpu.memory_space<vmem>>, vector<16xi32>,
      tpu.vector_store %arg4[%swap3A_77], %broadcast_in_dim3A_6 {strides = array<i32>} : memref<61952xi32, #tpu.memory_space<vmem>>, vector<16xi32>,
      %scan3A_79 = arith.constant 0 : i32
      scf.yield %scan3A_79 : i32
    }
    %scan3A_29 = arith.constant 968 : i32
    %scan3A_30 = arith.constant 0 : i32
    %scan3A_31 = arith.constant 0 : i32
    %scan3A_32 = arith.constant 4 : i32
    %scan3A_33 = arith.addi %scan3A_31, %scan3A_32 : i32
    %scan3A_34 = arith.constant 1 : i32
    %scan3A_35 = scf.for %scan3A_54 = %scan3A_31 to %scan3A_33 step %scan3A_34 iter_args(%scan3A_55 = %scan3A_30) -> (i32)  : i32 {
      %mul3A_56 = arith.constant 2 : i32
      %mul3A_57 = arith.muli %scan3A_54, %mul3A_56 : i32
      %add3A_58 = arith.constant 0 : i32
      %add3A_59 = arith.addi %mul3A_57, %add3A_58 : i32
      %mul3A_60 = arith.constant 4000 : i32
      %mul3A_61 = arith.muli %add3A_59, %mul3A_60 : i32
      %add3A_62 = arith.addi %add3A_5, %mul3A_61 : i32
      %dma_wait3A_63 = arith.constant 0 : i32
      %dma_wait3A_64 = tpu.memref_slice %arg5[%dma_wait3A_63] : memref<8000xi32, #tpu.memory_space<vmem>> -> memref<4000xi32, #tpu.memory_space<vmem>>
      %dma_wait3A_65 = tpu.memref_slice %arg2[%add3A_62] : memref<1024000xi32, #tpu.memory_space<hbm>> -> memref<4000xi32, #tpu.memory_space<hbm>>
      %dma_wait3A_66 = arith.constant 0 : i32
      %dma_wait3A_67 = tpu.memref_slice %arg5[%dma_wait3A_66] : memref<8000xi32, #tpu.memory_space<vmem>> -> memref<4000xi32, #tpu.memory_space<vmem>>
      %dma_wait3A_68 = tpu.memref_slice %arg2[%add3A_62] : memref<1024000xi32, #tpu.memory_space<hbm>> -> memref<4000xi32, #tpu.memory_space<hbm>>
      tpu.wait_dma2 semaphore(%arg6 : memref<!tpu.dma_semaphore, #tpu.memory_space<semaphore_mem>>) src(%dma_wait3A_68 : memref<4000xi32, #tpu.memory_space<hbm>>) dst(%dma_wait3A_67 : memref<4000xi32, #tpu.memory_space<vmem>>)
      %scan3A_69 = arith.constant 0 : i32
      %scan3A_70 = arith.constant 0 : i32
      %scan3A_71 = arith.constant 50 : i32
      %scan3A_72 = arith.addi %scan3A_70, %scan3A_71 : i32
      %scan3A_73 = arith.constant 1 : i32
      %scan3A_74 = scf.for %scan3A_122 = %scan3A_70 to %scan3A_72 step %scan3A_73 iter_args(%scan3A_123 = %scan3A_69) -> (i32)  : i32 {
        %mul3A_124 = arith.constant 5 : i32
        %mul3A_125 = arith.muli %scan3A_122, %mul3A_124 : i32
        %add3A_126 = arith.constant 0 : i32
        %add3A_127 = arith.addi %mul3A_125, %add3A_126 : i32
        %mul3A_128 = arith.constant 16 : i32
        %mul3A_129 = arith.muli %add3A_127, %mul3A_128 : i32
        %add3A_130 = arith.constant 0 : i32
        %add3A_131 = arith.addi %add3A_130, %mul3A_129 : i32
        %get3A = arith.index_cast %add3A_131 : i32 to index
        %get3A_132 = tpu.vector_load %arg5[%get3A] {strides = array<i32>} : memref<8000xi32, #tpu.memory_space<vmem>>, vector<16xi32>,
        %and3A = arith.constant 65535 : i32
        %and3A_133 = vector.broadcast %and3A : i32 to vector<16xi32>
        %and3A_134 = arith.andi %get3A_132, %and3A_133 : vector<16xi32>
        tpu.vector_store_idx %arg4[%and3A_134], %broadcast_in_dim3A_8 {add = true} : memref<61952xi32, #tpu.memory_space<vmem>>[vector<16xi32>], vector<16xi32>,
        %shift_right_logical3A = arith.constant 16 : i32
        %shift_right_logical3A_135 = vector.broadcast %shift_right_logical3A : i32 to vector<16xi32>
        %shift_right_logical3A_136 = arith.shrui %get3A_132, %shift_right_logical3A_135 : vector<16xi32>
        tpu.vector_store_idx %arg4[%shift_right_logical3A_136], %broadcast_in_dim3A_8 {add = true} : memref<61952xi32, #tpu.memory_space<vmem>>[vector<16xi32>], vector<16xi32>,
        %mul3A_137 = arith.constant 5 : i32
        %mul3A_138 = arith.muli %scan3A_122, %mul3A_137 : i32
        %add3A_139 = arith.constant 1 : i32
        %add3A_140 = arith.addi %mul3A_138, %add3A_139 : i32
        %mul3A_141 = arith.constant 16 : i32
        %mul3A_142 = arith.muli %add3A_140, %mul3A_141 : i32
        %add3A_143 = arith.constant 0 : i32
        %add3A_144 = arith.addi %add3A_143, %mul3A_142 : i32
        %get3A_145 = arith.index_cast %add3A_144 : i32 to index
        %get3A_146 = tpu.vector_load %arg5[%get3A_145] {strides = array<i32>} : memref<8000xi32, #tpu.memory_space<vmem>>, vector<16xi32>,
        %and3A_147 = arith.constant 65535 : i32
        %and3A_148 = vector.broadcast %and3A_147 : i32 to vector<16xi32>
        %and3A_149 = arith.andi %get3A_146, %and3A_148 : vector<16xi32>
        tpu.vector_store_idx %arg4[%and3A_149], %broadcast_in_dim3A_8 {add = true} : memref<61952xi32, #tpu.memory_space<vmem>>[vector<16xi32>], vector<16xi32>,
        %shift_right_logical3A_150 = arith.constant 16 : i32
        %shift_right_logical3A_151 = vector.broadcast %shift_right_logical3A_150 : i32 to vector<16xi32>
        %shift_right_logical3A_152 = arith.shrui %get3A_146, %shift_right_logical3A_151 : vector<16xi32>
        tpu.vector_store_idx %arg4[%shift_right_logical3A_152], %broadcast_in_dim3A_8 {add = true} : memref<61952xi32, #tpu.memory_space<vmem>>[vector<16xi32>], vector<16xi32>,
        %mul3A_153 = arith.constant 5 : i32
        %mul3A_154 = arith.muli %scan3A_122, %mul3A_153 : i32
        %add3A_155 = arith.constant 2 : i32
        %add3A_156 = arith.addi %mul3A_154, %add3A_155 : i32
        %mul3A_157 = arith.constant 16 : i32
        %mul3A_158 = arith.muli %add3A_156, %mul3A_157 : i32
        %add3A_159 = arith.constant 0 : i32
        %add3A_160 = arith.addi %add3A_159, %mul3A_158 : i32
        %get3A_161 = arith.index_cast %add3A_160 : i32 to index
        %get3A_162 = tpu.vector_load %arg5[%get3A_161] {strides = array<i32>} : memref<8000xi32, #tpu.memory_space<vmem>>, vector<16xi32>,
        %and3A_163 = arith.constant 65535 : i32
        %and3A_164 = vector.broadcast %and3A_163 : i32 to vector<16xi32>
        %and3A_165 = arith.andi %get3A_162, %and3A_164 : vector<16xi32>
        tpu.vector_store_idx %arg4[%and3A_165], %broadcast_in_dim3A_8 {add = true} : memref<61952xi32, #tpu.memory_space<vmem>>[vector<16xi32>], vector<16xi32>,
        %shift_right_logical3A_166 = arith.constant 16 : i32
        %shift_right_logical3A_167 = vector.broadcast %shift_right_logical3A_166 : i32 to vector<16xi32>
        %shift_right_logical3A_168 = arith.shrui %get3A_162, %shift_right_logical3A_167 : vector<16xi32>
        tpu.vector_store_idx %arg4[%shift_right_logical3A_168], %broadcast_in_dim3A_8 {add = true} : memref<61952xi32, #tpu.memory_space<vmem>>[vector<16xi32>], vector<16xi32>,
        %mul3A_169 = arith.constant 5 : i32
        %mul3A_170 = arith.muli %scan3A_122, %mul3A_169 : i32
        %add3A_171 = arith.constant 3 : i32
        %add3A_172 = arith.addi %mul3A_170, %add3A_171 : i32
        %mul3A_173 = arith.constant 16 : i32
        %mul3A_174 = arith.muli %add3A_172, %mul3A_173 : i32
        %add3A_175 = arith.constant 0 : i32
        %add3A_176 = arith.addi %add3A_175, %mul3A_174 : i32
        %get3A_177 = arith.index_cast %add3A_176 : i32 to index
        %get3A_178 = tpu.vector_load %arg5[%get3A_177] {strides = array<i32>} : memref<8000xi32, #tpu.memory_space<vmem>>, vector<16xi32>,
        %and3A_179 = arith.constant 65535 : i32
        %and3A_180 = vector.broadcast %and3A_179 : i32 to vector<16xi32>
        %and3A_181 = arith.andi %get3A_178, %and3A_180 : vector<16xi32>
        tpu.vector_store_idx %arg4[%and3A_181], %broadcast_in_dim3A_8 {add = true} : memref<61952xi32, #tpu.memory_space<vmem>>[vector<16xi32>], vector<16xi32>,
        %shift_right_logical3A_182 = arith.constant 16 : i32
        %shift_right_logical3A_183 = vector.broadcast %shift_right_logical3A_182 : i32 to vector<16xi32>
        %shift_right_logical3A_184 = arith.shrui %get3A_178, %shift_right_logical3A_183 : vector<16xi32>
        tpu.vector_store_idx %arg4[%shift_right_logical3A_184], %broadcast_in_dim3A_8 {add = true} : memref<61952xi32, #tpu.memory_space<vmem>>[vector<16xi32>], vector<16xi32>,
        %mul3A_185 = arith.constant 5 : i32
        %mul3A_186 = arith.muli %scan3A_122, %mul3A_185 : i32
        %add3A_187 = arith.constant 4 : i32
        %add3A_188 = arith.addi %mul3A_186, %add3A_187 : i32
        %mul3A_189 = arith.constant 16 : i32
        %mul3A_190 = arith.muli %add3A_188, %mul3A_189 : i32
        %add3A_191 = arith.constant 0 : i32
        %add3A_192 = arith.addi %add3A_191, %mul3A_190 : i32
        %get3A_193 = arith.index_cast %add3A_192 : i32 to index
        %get3A_194 = tpu.vector_load %arg5[%get3A_193] {strides = array<i32>} : memref<8000xi32, #tpu.memory_space<vmem>>, vector<16xi32>,
        %and3A_195 = arith.constant 65535 : i32
        %and3A_196 = vector.broadcast %and3A_195 : i32 to vector<16xi32>
        %and3A_197 = arith.andi %get3A_194, %and3A_196 : vector<16xi32>
        tpu.vector_store_idx %arg4[%and3A_197], %broadcast_in_dim3A_8 {add = true} : memref<61952xi32, #tpu.memory_space<vmem>>[vector<16xi32>], vector<16xi32>,
        %shift_right_logical3A_198 = arith.constant 16 : i32
        %shift_right_logical3A_199 = vector.broadcast %shift_right_logical3A_198 : i32 to vector<16xi32>
        %shift_right_logical3A_200 = arith.shrui %get3A_194, %shift_right_logical3A_199 : vector<16xi32>
        tpu.vector_store_idx %arg4[%shift_right_logical3A_200], %broadcast_in_dim3A_8 {add = true} : memref<61952xi32, #tpu.memory_space<vmem>>[vector<16xi32>], vector<16xi32>,
        %scan3A_201 = arith.constant 0 : i32
        scf.yield %scan3A_201 : i32
      }
      %scan3A_75 = arith.constant 50 : i32
      %add3A_76 = arith.constant 2 : i32
      %add3A_77 = arith.addi %add3A_59, %add3A_76 : i32
      %min3A = arith.constant 7 : i32
      %min3A_78 = arith.minsi %add3A_77, %min3A : i32
      %mul3A_79 = arith.constant 4000 : i32
      %mul3A_80 = arith.muli %min3A_78, %mul3A_79 : i32
      %add3A_81 = arith.addi %add3A_5, %mul3A_80 : i32
      %dma_start3A_82 = arith.constant 0 : i32
      %dma_start3A_83 = tpu.memref_slice %arg5[%dma_start3A_82] : memref<8000xi32, #tpu.memory_space<vmem>> -> memref<4000xi32, #tpu.memory_space<vmem>>
      %dma_start3A_84 = tpu.memref_slice %arg2[%add3A_81] : memref<1024000xi32, #tpu.memory_space<hbm>> -> memref<4000xi32, #tpu.memory_space<hbm>>
      %dma_start3A_85 = arith.constant 0 : i32
      %dma_start3A_86 = tpu.memref_slice %arg5[%dma_start3A_85] : memref<8000xi32, #tpu.memory_space<vmem>> -> memref<4000xi32, #tpu.memory_space<vmem>>
      %dma_start3A_87 = tpu.memref_slice %arg2[%add3A_81] : memref<1024000xi32, #tpu.memory_space<hbm>> -> memref<4000xi32, #tpu.memory_space<hbm>>
      tpu.enqueue_dma source(%dma_start3A_87 : memref<4000xi32, #tpu.memory_space<hbm>>) target(%dma_start3A_86 : memref<4000xi32, #tpu.memory_space<vmem>>) target_semaphore(%arg6 : memref<!tpu.dma_semaphore, #tpu.memory_space<semaphore_mem>>)
      %mul3A_88 = arith.constant 2 : i32
      %mul3A_89 = arith.muli %scan3A_54, %mul3A_88 : i32
      %add3A_90 = arith.constant 1 : i32
      %add3A_91 = arith.addi %mul3A_89, %add3A_90 : i32
      %mul3A_92 = arith.constant 4000 : i32
      %mul3A_93 = arith.muli %add3A_91, %mul3A_92 : i32
      %add3A_94 = arith.addi %add3A_5, %mul3A_93 : i32
      %dma_wait3A_95 = arith.constant 4000 : i32
      %dma_wait3A_96 = tpu.memref_slice %arg5[%dma_wait3A_95] : memref<8000xi32, #tpu.memory_space<vmem>> -> memref<4000xi32, #tpu.memory_space<vmem>>
      %dma_wait3A_97 = tpu.memref_slice %arg2[%add3A_94] : memref<1024000xi32, #tpu.memory_space<hbm>> -> memref<4000xi32, #tpu.memory_space<hbm>>
      %dma_wait3A_98 = arith.constant 4000 : i32
      %dma_wait3A_99 = tpu.memref_slice %arg5[%dma_wait3A_98] : memref<8000xi32, #tpu.memory_space<vmem>> -> memref<4000xi32, #tpu.memory_space<vmem>>
      %dma_wait3A_100 = tpu.memref_slice %arg2[%add3A_94] : memref<1024000xi32, #tpu.memory_space<hbm>> -> memref<4000xi32, #tpu.memory_space<hbm>>
      tpu.wait_dma2 semaphore(%arg7 : memref<!tpu.dma_semaphore, #tpu.memory_space<semaphore_mem>>) src(%dma_wait3A_100 : memref<4000xi32, #tpu.memory_space<hbm>>) dst(%dma_wait3A_99 : memref<4000xi32, #tpu.memory_space<vmem>>)
      %scan3A_101 = arith.constant 0 : i32
      %scan3A_102 = arith.constant 0 : i32
      %scan3A_103 = arith.constant 50 : i32
      %scan3A_104 = arith.addi %scan3A_102, %scan3A_103 : i32
      %scan3A_105 = arith.constant 1 : i32
      %scan3A_106 = scf.for %scan3A_122 = %scan3A_102 to %scan3A_104 step %scan3A_105 iter_args(%scan3A_123 = %scan3A_101) -> (i32)  : i32 {
        %mul3A_124 = arith.constant 5 : i32
        %mul3A_125 = arith.muli %scan3A_122, %mul3A_124 : i32
        %add3A_126 = arith.constant 0 : i32
        %add3A_127 = arith.addi %mul3A_125, %add3A_126 : i32
        %mul3A_128 = arith.constant 16 : i32
        %mul3A_129 = arith.muli %add3A_127, %mul3A_128 : i32
        %add3A_130 = arith.constant 4000 : i32
        %add3A_131 = arith.addi %add3A_130, %mul3A_129 : i32
        %get3A = arith.index_cast %add3A_131 : i32 to index
        %get3A_132 = tpu.vector_load %arg5[%get3A] {strides = array<i32>} : memref<8000xi32, #tpu.memory_space<vmem>>, vector<16xi32>,
        %and3A = arith.constant 65535 : i32
        %and3A_133 = vector.broadcast %and3A : i32 to vector<16xi32>
        %and3A_134 = arith.andi %get3A_132, %and3A_133 : vector<16xi32>
        tpu.vector_store_idx %arg4[%and3A_134], %broadcast_in_dim3A_8 {add = true} : memref<61952xi32, #tpu.memory_space<vmem>>[vector<16xi32>], vector<16xi32>,
        %shift_right_logical3A = arith.constant 16 : i32
        %shift_right_logical3A_135 = vector.broadcast %shift_right_logical3A : i32 to vector<16xi32>
        %shift_right_logical3A_136 = arith.shrui %get3A_132, %shift_right_logical3A_135 : vector<16xi32>
        tpu.vector_store_idx %arg4[%shift_right_logical3A_136], %broadcast_in_dim3A_8 {add = true} : memref<61952xi32, #tpu.memory_space<vmem>>[vector<16xi32>], vector<16xi32>,
        %mul3A_137 = arith.constant 5 : i32
        %mul3A_138 = arith.muli %scan3A_122, %mul3A_137 : i32
        %add3A_139 = arith.constant 1 : i32
        %add3A_140 = arith.addi %mul3A_138, %add3A_139 : i32
        %mul3A_141 = arith.constant 16 : i32
        %mul3A_142 = arith.muli %add3A_140, %mul3A_141 : i32
        %add3A_143 = arith.constant 4000 : i32
        %add3A_144 = arith.addi %add3A_143, %mul3A_142 : i32
        %get3A_145 = arith.index_cast %add3A_144 : i32 to index
        %get3A_146 = tpu.vector_load %arg5[%get3A_145] {strides = array<i32>} : memref<8000xi32, #tpu.memory_space<vmem>>, vector<16xi32>,
        %and3A_147 = arith.constant 65535 : i32
        %and3A_148 = vector.broadcast %and3A_147 : i32 to vector<16xi32>
        %and3A_149 = arith.andi %get3A_146, %and3A_148 : vector<16xi32>
        tpu.vector_store_idx %arg4[%and3A_149], %broadcast_in_dim3A_8 {add = true} : memref<61952xi32, #tpu.memory_space<vmem>>[vector<16xi32>], vector<16xi32>,
        %shift_right_logical3A_150 = arith.constant 16 : i32
        %shift_right_logical3A_151 = vector.broadcast %shift_right_logical3A_150 : i32 to vector<16xi32>
        %shift_right_logical3A_152 = arith.shrui %get3A_146, %shift_right_logical3A_151 : vector<16xi32>
        tpu.vector_store_idx %arg4[%shift_right_logical3A_152], %broadcast_in_dim3A_8 {add = true} : memref<61952xi32, #tpu.memory_space<vmem>>[vector<16xi32>], vector<16xi32>,
        %mul3A_153 = arith.constant 5 : i32
        %mul3A_154 = arith.muli %scan3A_122, %mul3A_153 : i32
        %add3A_155 = arith.constant 2 : i32
        %add3A_156 = arith.addi %mul3A_154, %add3A_155 : i32
        %mul3A_157 = arith.constant 16 : i32
        %mul3A_158 = arith.muli %add3A_156, %mul3A_157 : i32
        %add3A_159 = arith.constant 4000 : i32
        %add3A_160 = arith.addi %add3A_159, %mul3A_158 : i32
        %get3A_161 = arith.index_cast %add3A_160 : i32 to index
        %get3A_162 = tpu.vector_load %arg5[%get3A_161] {strides = array<i32>} : memref<8000xi32, #tpu.memory_space<vmem>>, vector<16xi32>,
        %and3A_163 = arith.constant 65535 : i32
        %and3A_164 = vector.broadcast %and3A_163 : i32 to vector<16xi32>
        %and3A_165 = arith.andi %get3A_162, %and3A_164 : vector<16xi32>
        tpu.vector_store_idx %arg4[%and3A_165], %broadcast_in_dim3A_8 {add = true} : memref<61952xi32, #tpu.memory_space<vmem>>[vector<16xi32>], vector<16xi32>,
        %shift_right_logical3A_166 = arith.constant 16 : i32
        %shift_right_logical3A_167 = vector.broadcast %shift_right_logical3A_166 : i32 to vector<16xi32>
        %shift_right_logical3A_168 = arith.shrui %get3A_162, %shift_right_logical3A_167 : vector<16xi32>
        tpu.vector_store_idx %arg4[%shift_right_logical3A_168], %broadcast_in_dim3A_8 {add = true} : memref<61952xi32, #tpu.memory_space<vmem>>[vector<16xi32>], vector<16xi32>,
        %mul3A_169 = arith.constant 5 : i32
        %mul3A_170 = arith.muli %scan3A_122, %mul3A_169 : i32
        %add3A_171 = arith.constant 3 : i32
        %add3A_172 = arith.addi %mul3A_170, %add3A_171 : i32
        %mul3A_173 = arith.constant 16 : i32
        %mul3A_174 = arith.muli %add3A_172, %mul3A_173 : i32
        %add3A_175 = arith.constant 4000 : i32
        %add3A_176 = arith.addi %add3A_175, %mul3A_174 : i32
        %get3A_177 = arith.index_cast %add3A_176 : i32 to index
        %get3A_178 = tpu.vector_load %arg5[%get3A_177] {strides = array<i32>} : memref<8000xi32, #tpu.memory_space<vmem>>, vector<16xi32>,
        %and3A_179 = arith.constant 65535 : i32
        %and3A_180 = vector.broadcast %and3A_179 : i32 to vector<16xi32>
        %and3A_181 = arith.andi %get3A_178, %and3A_180 : vector<16xi32>
        tpu.vector_store_idx %arg4[%and3A_181], %broadcast_in_dim3A_8 {add = true} : memref<61952xi32, #tpu.memory_space<vmem>>[vector<16xi32>], vector<16xi32>,
        %shift_right_logical3A_182 = arith.constant 16 : i32
        %shift_right_logical3A_183 = vector.broadcast %shift_right_logical3A_182 : i32 to vector<16xi32>
        %shift_right_logical3A_184 = arith.shrui %get3A_178, %shift_right_logical3A_183 : vector<16xi32>
        tpu.vector_store_idx %arg4[%shift_right_logical3A_184], %broadcast_in_dim3A_8 {add = true} : memref<61952xi32, #tpu.memory_space<vmem>>[vector<16xi32>], vector<16xi32>,
        %mul3A_185 = arith.constant 5 : i32
        %mul3A_186 = arith.muli %scan3A_122, %mul3A_185 : i32
        %add3A_187 = arith.constant 4 : i32
        %add3A_188 = arith.addi %mul3A_186, %add3A_187 : i32
        %mul3A_189 = arith.constant 16 : i32
        %mul3A_190 = arith.muli %add3A_188, %mul3A_189 : i32
        %add3A_191 = arith.constant 4000 : i32
        %add3A_192 = arith.addi %add3A_191, %mul3A_190 : i32
        %get3A_193 = arith.index_cast %add3A_192 : i32 to index
        %get3A_194 = tpu.vector_load %arg5[%get3A_193] {strides = array<i32>} : memref<8000xi32, #tpu.memory_space<vmem>>, vector<16xi32>,
        %and3A_195 = arith.constant 65535 : i32
        %and3A_196 = vector.broadcast %and3A_195 : i32 to vector<16xi32>
        %and3A_197 = arith.andi %get3A_194, %and3A_196 : vector<16xi32>
        tpu.vector_store_idx %arg4[%and3A_197], %broadcast_in_dim3A_8 {add = true} : memref<61952xi32, #tpu.memory_space<vmem>>[vector<16xi32>], vector<16xi32>,
        %shift_right_logical3A_198 = arith.constant 16 : i32
        %shift_right_logical3A_199 = vector.broadcast %shift_right_logical3A_198 : i32 to vector<16xi32>
        %shift_right_logical3A_200 = arith.shrui %get3A_194, %shift_right_logical3A_199 : vector<16xi32>
        tpu.vector_store_idx %arg4[%shift_right_logical3A_200], %broadcast_in_dim3A_8 {add = true} : memref<61952xi32, #tpu.memory_space<vmem>>[vector<16xi32>], vector<16xi32>,
        %scan3A_201 = arith.constant 0 : i32
        scf.yield %scan3A_201 : i32
      }
      %scan3A_107 = arith.constant 50 : i32
      %add3A_108 = arith.constant 2 : i32
      %add3A_109 = arith.addi %add3A_91, %add3A_108 : i32
      %min3A_110 = arith.constant 7 : i32
      %min3A_111 = arith.minsi %add3A_109, %min3A_110 : i32
      %mul3A_112 = arith.constant 4000 : i32
      %mul3A_113 = arith.muli %min3A_111, %mul3A_112 : i32
      %add3A_114 = arith.addi %add3A_5, %mul3A_113 : i32
      %dma_start3A_115 = arith.constant 4000 : i32
      %dma_start3A_116 = tpu.memref_slice %arg5[%dma_start3A_115] : memref<8000xi32, #tpu.memory_space<vmem>> -> memref<4000xi32, #tpu.memory_space<vmem>>
      %dma_start3A_117 = tpu.memref_slice %arg2[%add3A_114] : memref<1024000xi32, #tpu.memory_space<hbm>> -> memref<4000xi32, #tpu.memory_space<hbm>>
      %dma_start3A_118 = arith.constant 4000 : i32
      %dma_start3A_119 = tpu.memref_slice %arg5[%dma_start3A_118] : memref<8000xi32, #tpu.memory_space<vmem>> -> memref<4000xi32, #tpu.memory_space<vmem>>
      %dma_start3A_120 = tpu.memref_slice %arg2[%add3A_114] : memref<1024000xi32, #tpu.memory_space<hbm>> -> memref<4000xi32, #tpu.memory_space<hbm>>
      tpu.enqueue_dma source(%dma_start3A_120 : memref<4000xi32, #tpu.memory_space<hbm>>) target(%dma_start3A_119 : memref<4000xi32, #tpu.memory_space<vmem>>) target_semaphore(%arg7 : memref<!tpu.dma_semaphore, #tpu.memory_space<semaphore_mem>>)
      %scan3A_121 = arith.constant 0 : i32
      scf.yield %scan3A_121 : i32
    }
    %scan3A_36 = arith.constant 4 : i32
    %add3A_37 = arith.constant 28000 : i32
    %add3A_38 = arith.addi %add3A_5, %add3A_37 : i32
    %dma_wait3A = arith.constant 0 : i32
    %dma_wait3A_39 = tpu.memref_slice %arg5[%dma_wait3A] : memref<8000xi32, #tpu.memory_space<vmem>> -> memref<4000xi32, #tpu.memory_space<vmem>>
    %dma_wait3A_40 = tpu.memref_slice %arg2[%add3A_38] : memref<1024000xi32, #tpu.memory_space<hbm>> -> memref<4000xi32, #tpu.memory_space<hbm>>
    %dma_wait3A_41 = arith.constant 0 : i32
    %dma_wait3A_42 = tpu.memref_slice %arg5[%dma_wait3A_41] : memref<8000xi32, #tpu.memory_space<vmem>> -> memref<4000xi32, #tpu.memory_space<vmem>>
    %dma_wait3A_43 = tpu.memref_slice %arg2[%add3A_38] : memref<1024000xi32, #tpu.memory_space<hbm>> -> memref<4000xi32, #tpu.memory_space<hbm>>
    tpu.wait_dma2 semaphore(%arg6 : memref<!tpu.dma_semaphore, #tpu.memory_space<semaphore_mem>>) src(%dma_wait3A_43 : memref<4000xi32, #tpu.memory_space<hbm>>) dst(%dma_wait3A_42 : memref<4000xi32, #tpu.memory_space<vmem>>)
    %add3A_44 = arith.constant 28000 : i32
    %add3A_45 = arith.addi %add3A_5, %add3A_44 : i32
    %dma_wait3A_46 = arith.constant 4000 : i32
    %dma_wait3A_47 = tpu.memref_slice %arg5[%dma_wait3A_46] : memref<8000xi32, #tpu.memory_space<vmem>> -> memref<4000xi32, #tpu.memory_space<vmem>>
    %dma_wait3A_48 = tpu.memref_slice %arg2[%add3A_45] : memref<1024000xi32, #tpu.memory_space<hbm>> -> memref<4000xi32, #tpu.memory_space<hbm>>
    %dma_wait3A_49 = arith.constant 4000 : i32
    %dma_wait3A_50 = tpu.memref_slice %arg5[%dma_wait3A_49] : memref<8000xi32, #tpu.memory_space<vmem>> -> memref<4000xi32, #tpu.memory_space<vmem>>
    %dma_wait3A_51 = tpu.memref_slice %arg2[%add3A_45] : memref<1024000xi32, #tpu.memory_space<hbm>> -> memref<4000xi32, #tpu.memory_space<hbm>>
    tpu.wait_dma2 semaphore(%arg7 : memref<!tpu.dma_semaphore, #tpu.memory_space<semaphore_mem>>) src(%dma_wait3A_51 : memref<4000xi32, #tpu.memory_space<hbm>>) dst(%dma_wait3A_50 : memref<4000xi32, #tpu.memory_space<vmem>>)
    %mul3A_52 = arith.constant 65536 : i32
    %mul3A_53 = arith.muli %add3A, %mul3A_52 : i32
    "tpu.region"() ({
      %run_scoped3A = tpu.sem_alloc : memref<!tpu.dma_semaphore, #tpu.memory_space<semaphore_mem>>
      %dma_start3A_54 = tpu.memref_slice %arg3[%mul3A_53] : memref<2097152xi32, #tpu.memory_space<hbm>> -> memref<61952xi32, #tpu.memory_space<hbm>>
      %dma_start3A_55 = tpu.memref_slice %arg3[%mul3A_53] : memref<2097152xi32, #tpu.memory_space<hbm>> -> memref<61952xi32, #tpu.memory_space<hbm>>
      tpu.enqueue_dma source(%arg4 : memref<61952xi32, #tpu.memory_space<vmem>>) target(%dma_start3A_55 : memref<61952xi32, #tpu.memory_space<hbm>>) target_semaphore(%run_scoped3A : memref<!tpu.dma_semaphore, #tpu.memory_space<semaphore_mem>>)
      %dma_wait3A_56 = tpu.memref_slice %arg3[%mul3A_53] : memref<2097152xi32, #tpu.memory_space<hbm>> -> memref<61952xi32, #tpu.memory_space<hbm>>
      %dma_wait3A_57 = tpu.memref_slice %arg3[%mul3A_53] : memref<2097152xi32, #tpu.memory_space<hbm>> -> memref<61952xi32, #tpu.memory_space<hbm>>
      tpu.wait_dma2 semaphore(%run_scoped3A : memref<!tpu.dma_semaphore, #tpu.memory_space<semaphore_mem>>) src(%arg4 : memref<61952xi32, #tpu.memory_space<vmem>>) dst(%dma_wait3A_57 : memref<61952xi32, #tpu.memory_space<hbm>>)
      tpu.yield
    }) : () -> ()
    return
  }
}

module attributes {stable_mosaic.version = 14 : i64} {
  func.func @_ab_body(%arg0: i32, %arg1: i32, %arg2: i32, %arg3: memref<1x8x2048xf32, #tpu.memory_space<vmem>>, %arg4: memref<1x8x2048xf32, #tpu.memory_space<vmem>>, %arg5: memref<1x1x2048xi32, #tpu.memory_space<vmem>>, %arg6: memref<1x1x2048xi32, #tpu.memory_space<vmem>>, %arg7: memref<1x32x8xf32, #tpu.memory_space<vmem>>, %arg8: memref<1x32x8xf32, #tpu.memory_space<vmem>>, %arg9: memref<1x32x8xi32, #tpu.memory_space<vmem>>, %arg10: memref<1x20x1024xi32, #tpu.memory_space<vmem>>, %arg11: memref<32x8xf32, #tpu.memory_space<vmem>>) attributes {dimension_semantics = [#tpu.dimension_semantics<arbitrary>, #tpu.dimension_semantics<arbitrary>, #tpu.dimension_semantics<arbitrary>], iteration_bounds = array<i64: 2, 2, 25>, scalar_prefetch = 0 : i64, scratch_operands = 1 : i64, tpu.core_type = #tpu.core_type<tc>, window_params = [{transform_indices = @transform_0, window_bounds = array<i64: 1, 8, 2048>}, {transform_indices = @transform_1, window_bounds = array<i64: 1, 8, 2048>}, {transform_indices = @transform_2, window_bounds = array<i64: 1, 1, 2048>}, {transform_indices = @transform_3, window_bounds = array<i64: 1, 1, 2048>}, {transform_indices = @transform_4, window_bounds = array<i64: 1, 32, 8>}, {transform_indices = @transform_5, window_bounds = array<i64: 1, 32, 8>}, {transform_indices = @transform_6, window_bounds = array<i64: 1, 32, 8>}, {transform_indices = @transform_7, window_bounds = array<i64: 1, 20, 1024>}]} {
    %get3A = arith.constant 0 : index
    %get3A_0 = arith.constant 0 : index
    %get3A_1 = arith.constant 0 : index
    %get3A_2 = vector.load %arg3[%get3A, %get3A_0, %get3A_1] : memref<1x8x2048xf32, #tpu.memory_space<vmem>>, vector<1x8x2048xf32>
    %get3A_3 = vector.shape_cast %get3A_2 : vector<1x8x2048xf32> to vector<8x2048xf32>
    %get3A_4 = arith.constant 0 : index
    %get3A_5 = arith.constant 0 : index
    %get3A_6 = arith.constant 0 : index
    %get3A_7 = vector.load %arg4[%get3A_4, %get3A_5, %get3A_6] : memref<1x8x2048xf32, #tpu.memory_space<vmem>>, vector<1x8x2048xf32>
    %get3A_8 = vector.shape_cast %get3A_7 : vector<1x8x2048xf32> to vector<8x2048xf32>
    %add3A = arith.addf %get3A_3, %get3A_8 : vector<8x2048xf32>
    %get3A_9 = arith.constant 0 : index
    %get3A_10 = arith.constant 0 : index
    %get3A_11 = arith.constant 0 : index
    %get3A_12 = vector.load %arg5[%get3A_9, %get3A_10, %get3A_11] : memref<1x1x2048xi32, #tpu.memory_space<vmem>>, vector<1x1x2048xi32>
    %get3A_13 = vector.shape_cast %get3A_12 : vector<1x1x2048xi32> to vector<1x2048xi32>
    %get3A_14 = arith.constant 0 : index
    %get3A_15 = arith.constant 0 : index
    %get3A_16 = arith.constant 0 : index
    %get3A_17 = vector.load %arg6[%get3A_14, %get3A_15, %get3A_16] : memref<1x1x2048xi32, #tpu.memory_space<vmem>>, vector<1x1x2048xi32>
    %get3A_18 = vector.shape_cast %get3A_17 : vector<1x1x2048xi32> to vector<1x2048xi32>
    %iota3A = tpu.iota {dimensions = array<i32: 0>} : vector<32x2048xi32>
    %eq3A = arith.constant 0 : i32
    %eq3A_19 = arith.cmpi eq, %arg1, %eq3A : i32
    %convert_element_type3A = arith.extui %eq3A_19 : i1 to i32
    %cond3A = arith.constant 0 : i32
    %cond3A_20 = arith.cmpi ne, %convert_element_type3A, %cond3A : i32
    scf.if %cond3A_20 {
      %eq3A_26 = vector.broadcast %get3A_13 : vector<1x2048xi32> to vector<32x2048xi32>
      %eq3A_27 = arith.cmpi eq, %eq3A_26, %iota3A : vector<32x2048xi32>
      %convert_element_type3A_28 = arith.extui %eq3A_27 : vector<32x2048xi1> to vector<32x2048xi32>
      %convert_element_type3A_29 = arith.sitofp %convert_element_type3A_28 : vector<32x2048xi32> to vector<32x2048xf32>
      %iota3A_30 = tpu.iota {dimensions = array<i32: 0>} : vector<8x2048xi32>
      %eq3A_31 = vector.broadcast %get3A_18 : vector<1x2048xi32> to vector<8x2048xi32>
      %eq3A_32 = arith.cmpi eq, %eq3A_31, %iota3A_30 : vector<8x2048xi32>
      %convert_element_type3A_33 = arith.extui %eq3A_32 : vector<8x2048xi1> to vector<8x2048xi32>
      %convert_element_type3A_34 = arith.sitofp %convert_element_type3A_33 : vector<8x2048xi32> to vector<8x2048xf32>
      %dot_general3A = arith.constant dense<0.000000e+00> : vector<32x8xf32>
      %dot_general3A_35 = tpu.matmul %convert_element_type3A_29, %add3A, %dot_general3A {dimension_numbers = #tpu.dot_dimension_numbers<[1], [1], [0], [0], [0, 0, 1, 0], [], []>, transpose_lhs_hint = false} : vector<32x2048xf32>, vector<8x2048xf32>, vector<32x8xf32> -> vector<32x8xf32>
      %dot_general3A_36 = arith.constant dense<0.000000e+00> : vector<32x8xf32>
      %dot_general3A_37 = tpu.matmul %convert_element_type3A_29, %convert_element_type3A_34, %dot_general3A_36 {dimension_numbers = #tpu.dot_dimension_numbers<[1], [1], [0], [0], [0, 0, 1, 0], [], []>, transpose_lhs_hint = false} : vector<32x2048xf32>, vector<8x2048xf32>, vector<32x8xf32> -> vector<32x8xf32>
      %mul3A = arith.constant 2048 : i32
      %mul3A_38 = arith.muli %arg2, %mul3A : i32
      %iota3A_39 = tpu.iota {dimensions = array<i32: 1>} : vector<1x2048xi32>
      %add3A_40 = vector.broadcast %mul3A_38 : i32 to vector<1x2048xi32>
      %add3A_41 = arith.addi %add3A_40, %iota3A_39 : vector<1x2048xi32>
      %mul3A_42 = arith.constant 8 : i32
      %mul3A_43 = vector.broadcast %mul3A_42 : i32 to vector<1x2048xi32>
      %mul3A_44 = arith.muli %add3A_41, %mul3A_43 : vector<1x2048xi32>
      %add3A_45 = arith.addi %mul3A_44, %get3A_18 : vector<1x2048xi32>
      %broadcast_in_dim3A = vector.shape_cast %add3A_45 : vector<1x2048xi32> to vector<1x2048xi32>
      %broadcast_in_dim3A_46 = vector.broadcast %broadcast_in_dim3A : vector<1x2048xi32> to vector<32x2048xi32>
      %jit3A = arith.constant 1073741824 : i32
      %broadcast_in_dim3A_47 = vector.broadcast %jit3A : i32 to vector<32x2048xi32>
      %select_n3A = arith.select %eq3A_27, %broadcast_in_dim3A_46, %broadcast_in_dim3A_47 : vector<32x2048xi1>, vector<32x2048xi32>
      %reduce_min3A = arith.constant dense<2147483647> : vector<32xi32>
      %reduce_min3A_48 = vector.multi_reduction <minsi>, %select_n3A, %reduce_min3A [1] : vector<32x2048xi32> to vector<32xi32>
      %broadcast_in_dim3A_49 = vector.shape_cast %reduce_min3A_48 : vector<32xi32> to vector<32x1xi32>
      %broadcast_in_dim3A_50 = vector.shape_cast %broadcast_in_dim3A_49 : vector<32x1xi32> to vector<32x1xi32>
      %broadcast_in_dim3A_51 = vector.broadcast %broadcast_in_dim3A_50 : vector<32x1xi32> to vector<32x8xi32>
      %eq3A_52 = arith.constant 0 : i32
      %eq3A_53 = arith.cmpi eq, %arg2, %eq3A_52 : i32
      %convert_element_type3A_54 = arith.extui %eq3A_53 : i1 to i32
      %cond3A_55 = arith.constant 0 : i32
      %cond3A_56 = arith.cmpi ne, %convert_element_type3A_54, %cond3A_55 : i32
      scf.if %cond3A_56 {
        %broadcast_in_dim3A_91 = arith.constant 0.000000e+00 : f32
        %broadcast_in_dim3A_92 = vector.broadcast %broadcast_in_dim3A_91 : f32 to vector<32x8xf32>
        %swap3A_93 = arith.constant 0 : index
        %swap3A_94 = arith.constant 0 : index
        %swap3A_95 = arith.constant 0 : index
        %swap3A_96 = vector.load %arg7[%swap3A_93, %swap3A_94, %swap3A_95] : memref<1x32x8xf32, #tpu.memory_space<vmem>>, vector<1x32x8xf32>
        %swap3A_97 = vector.shape_cast %swap3A_96 : vector<1x32x8xf32> to vector<32x8xf32>
        %swap3A_98 = vector.shape_cast %broadcast_in_dim3A_92 : vector<32x8xf32> to vector<1x32x8xf32>
        tpu.vector_store %arg7[%swap3A_93, %swap3A_94, %swap3A_95], %swap3A_98 {strides = array<i32>} : memref<1x32x8xf32, #tpu.memory_space<vmem>>, vector<1x32x8xf32>,
        %broadcast_in_dim3A_99 = arith.constant 0.000000e+00 : f32
        %broadcast_in_dim3A_100 = vector.broadcast %broadcast_in_dim3A_99 : f32 to vector<32x8xf32>
        %swap3A_101 = arith.constant 0 : index
        %swap3A_102 = arith.constant 0 : index
        %swap3A_103 = arith.constant 0 : index
        %swap3A_104 = vector.load %arg8[%swap3A_101, %swap3A_102, %swap3A_103] : memref<1x32x8xf32, #tpu.memory_space<vmem>>, vector<1x32x8xf32>
        %swap3A_105 = vector.shape_cast %swap3A_104 : vector<1x32x8xf32> to vector<32x8xf32>
        %swap3A_106 = vector.shape_cast %broadcast_in_dim3A_100 : vector<32x8xf32> to vector<1x32x8xf32>
        tpu.vector_store %arg8[%swap3A_101, %swap3A_102, %swap3A_103], %swap3A_106 {strides = array<i32>} : memref<1x32x8xf32, #tpu.memory_space<vmem>>, vector<1x32x8xf32>,
        %broadcast_in_dim3A_107 = arith.constant 1073741824 : i32
        %broadcast_in_dim3A_108 = vector.broadcast %broadcast_in_dim3A_107 : i32 to vector<32x8xi32>
        %swap3A_109 = arith.constant 0 : index
        %swap3A_110 = arith.constant 0 : index
        %swap3A_111 = arith.constant 0 : index
        %swap3A_112 = vector.load %arg9[%swap3A_109, %swap3A_110, %swap3A_111] : memref<1x32x8xi32, #tpu.memory_space<vmem>>, vector<1x32x8xi32>
        %swap3A_113 = vector.shape_cast %swap3A_112 : vector<1x32x8xi32> to vector<32x8xi32>
        %swap3A_114 = vector.shape_cast %broadcast_in_dim3A_108 : vector<32x8xi32> to vector<1x32x8xi32>
        tpu.vector_store %arg9[%swap3A_109, %swap3A_110, %swap3A_111], %swap3A_114 {strides = array<i32>} : memref<1x32x8xi32, #tpu.memory_space<vmem>>, vector<1x32x8xi32>,
      } else {
      }
      %get3A_57 = arith.constant 0 : index
      %get3A_58 = arith.constant 0 : index
      %get3A_59 = arith.constant 0 : index
      %get3A_60 = vector.load %arg7[%get3A_57, %get3A_58, %get3A_59] : memref<1x32x8xf32, #tpu.memory_space<vmem>>, vector<1x32x8xf32>
      %get3A_61 = vector.shape_cast %get3A_60 : vector<1x32x8xf32> to vector<32x8xf32>
      %add3A_62 = arith.addf %get3A_61, %dot_general3A_35 : vector<32x8xf32>
      %swap3A = arith.constant 0 : index
      %swap3A_63 = arith.constant 0 : index
      %swap3A_64 = arith.constant 0 : index
      %swap3A_65 = vector.load %arg7[%swap3A, %swap3A_63, %swap3A_64] : memref<1x32x8xf32, #tpu.memory_space<vmem>>, vector<1x32x8xf32>
      %swap3A_66 = vector.shape_cast %swap3A_65 : vector<1x32x8xf32> to vector<32x8xf32>
      %swap3A_67 = vector.shape_cast %add3A_62 : vector<32x8xf32> to vector<1x32x8xf32>
      tpu.vector_store %arg7[%swap3A, %swap3A_63, %swap3A_64], %swap3A_67 {strides = array<i32>} : memref<1x32x8xf32, #tpu.memory_space<vmem>>, vector<1x32x8xf32>,
      %get3A_68 = arith.constant 0 : index
      %get3A_69 = arith.constant 0 : index
      %get3A_70 = arith.constant 0 : index
      %get3A_71 = vector.load %arg8[%get3A_68, %get3A_69, %get3A_70] : memref<1x32x8xf32, #tpu.memory_space<vmem>>, vector<1x32x8xf32>
      %get3A_72 = vector.shape_cast %get3A_71 : vector<1x32x8xf32> to vector<32x8xf32>
      %add3A_73 = arith.addf %get3A_72, %dot_general3A_37 : vector<32x8xf32>
      %swap3A_74 = arith.constant 0 : index
      %swap3A_75 = arith.constant 0 : index
      %swap3A_76 = arith.constant 0 : index
      %swap3A_77 = vector.load %arg8[%swap3A_74, %swap3A_75, %swap3A_76] : memref<1x32x8xf32, #tpu.memory_space<vmem>>, vector<1x32x8xf32>
      %swap3A_78 = vector.shape_cast %swap3A_77 : vector<1x32x8xf32> to vector<32x8xf32>
      %swap3A_79 = vector.shape_cast %add3A_73 : vector<32x8xf32> to vector<1x32x8xf32>
      tpu.vector_store %arg8[%swap3A_74, %swap3A_75, %swap3A_76], %swap3A_79 {strides = array<i32>} : memref<1x32x8xf32, #tpu.memory_space<vmem>>, vector<1x32x8xf32>,
      %get3A_80 = arith.constant 0 : index
      %get3A_81 = arith.constant 0 : index
      %get3A_82 = arith.constant 0 : index
      %get3A_83 = vector.load %arg9[%get3A_80, %get3A_81, %get3A_82] : memref<1x32x8xi32, #tpu.memory_space<vmem>>, vector<1x32x8xi32>
      %get3A_84 = vector.shape_cast %get3A_83 : vector<1x32x8xi32> to vector<32x8xi32>
      %min3A = arith.minsi %get3A_84, %broadcast_in_dim3A_51 : vector<32x8xi32>
      %swap3A_85 = arith.constant 0 : index
      %swap3A_86 = arith.constant 0 : index
      %swap3A_87 = arith.constant 0 : index
      %swap3A_88 = vector.load %arg9[%swap3A_85, %swap3A_86, %swap3A_87] : memref<1x32x8xi32, #tpu.memory_space<vmem>>, vector<1x32x8xi32>
      %swap3A_89 = vector.shape_cast %swap3A_88 : vector<1x32x8xi32> to vector<32x8xi32>
      %swap3A_90 = vector.shape_cast %min3A : vector<32x8xi32> to vector<1x32x8xi32>
      tpu.vector_store %arg9[%swap3A_85, %swap3A_86, %swap3A_87], %swap3A_90 {strides = array<i32>} : memref<1x32x8xi32, #tpu.memory_space<vmem>>, vector<1x32x8xi32>,
    } else {
    }
    %eq3A_21 = arith.constant 1 : i32
    %eq3A_22 = arith.cmpi eq, %arg1, %eq3A_21 : i32
    %convert_element_type3A_23 = arith.extui %eq3A_22 : i1 to i32
    %cond3A_24 = arith.constant 0 : i32
    %cond3A_25 = arith.cmpi ne, %convert_element_type3A_23, %cond3A_24 : i32
    scf.if %cond3A_25 {
      %eq3A_26 = arith.constant 0 : i32
      %eq3A_27 = arith.cmpi eq, %arg2, %eq3A_26 : i32
      %convert_element_type3A_28 = arith.extui %eq3A_27 : i1 to i32
      %cond3A_29 = arith.constant 0 : i32
      %cond3A_30 = arith.cmpi ne, %convert_element_type3A_28, %cond3A_29 : i32
      scf.if %cond3A_30 {
        %get3A_128 = arith.constant 0 : index
        %get3A_129 = arith.constant 0 : index
        %get3A_130 = arith.constant 0 : index
        %get3A_131 = vector.load %arg8[%get3A_128, %get3A_129, %get3A_130] : memref<1x32x8xf32, #tpu.memory_space<vmem>>, vector<1x32x8xf32>
        %get3A_132 = vector.shape_cast %get3A_131 : vector<1x32x8xf32> to vector<32x8xf32>
        %reduce_sum3A = arith.constant dense<0.000000e+00> : vector<32xf32>
        %reduce_sum3A_133 = vector.multi_reduction <add>, %get3A_132, %reduce_sum3A [1] : vector<32x8xf32> to vector<32xf32>
        %broadcast_in_dim3A_134 = vector.shape_cast %reduce_sum3A_133 : vector<32xf32> to vector<32x1xf32>
        %get3A_135 = arith.constant 0 : index
        %get3A_136 = arith.constant 0 : index
        %get3A_137 = arith.constant 0 : index
        %get3A_138 = vector.load %arg7[%get3A_135, %get3A_136, %get3A_137] : memref<1x32x8xf32, #tpu.memory_space<vmem>>, vector<1x32x8xf32>
        %get3A_139 = vector.shape_cast %get3A_138 : vector<1x32x8xf32> to vector<32x8xf32>
        %max3A_140 = arith.constant 1.000000e+00 : f32
        %max3A_141 = vector.broadcast %max3A_140 : f32 to vector<32x1xf32>
        %max3A_142 = arith.maximumf %broadcast_in_dim3A_134, %max3A_141 : vector<32x1xf32>
        %div3A = vector.broadcast %max3A_142 : vector<32x1xf32> to vector<32x8xf32>
        %div3A_143 = arith.divf %get3A_139, %div3A : vector<32x8xf32>
        %swap3A_144 = arith.constant 0 : index
        %swap3A_145 = arith.constant 0 : index
        %swap3A_146 = vector.load %arg11[%swap3A_144, %swap3A_145] : memref<32x8xf32, #tpu.memory_space<vmem>>, vector<32x8xf32>
        tpu.vector_store %arg11[%swap3A_144, %swap3A_145], %div3A_143 {strides = array<i32>} : memref<32x8xf32, #tpu.memory_space<vmem>>, vector<32x8xf32>,
      } else {
      }
      %slice3A = vector.extract_strided_slice %add3A {offsets = [0, 0], sizes = [1, 2048], strides = [1, 1]} : vector<8x2048xf32> to vector<1x2048xf32>
      %slice3A_31 = vector.extract_strided_slice %add3A {offsets = [1, 0], sizes = [1, 2048], strides = [1, 1]} : vector<8x2048xf32> to vector<1x2048xf32>
      %slice3A_32 = vector.extract_strided_slice %add3A {offsets = [2, 0], sizes = [1, 2048], strides = [1, 1]} : vector<8x2048xf32> to vector<1x2048xf32>
      %get3A_33 = arith.constant 0 : index
      %get3A_34 = arith.constant 0 : index
      %get3A_35 = vector.load %arg11[%get3A_33, %get3A_34] : memref<32x8xf32, #tpu.memory_space<vmem>>, vector<32x1xf32>
      %get3A_36 = arith.constant 0 : index
      %get3A_37 = arith.constant 1 : index
      %get3A_38 = vector.load %arg11[%get3A_36, %get3A_37] : memref<32x8xf32, #tpu.memory_space<vmem>>, vector<32x1xf32>
      %get3A_39 = arith.constant 0 : index
      %get3A_40 = arith.constant 2 : index
      %get3A_41 = vector.load %arg11[%get3A_39, %get3A_40] : memref<32x8xf32, #tpu.memory_space<vmem>>, vector<32x1xf32>
      %iota3A_42 = tpu.iota {dimensions = array<i32: 1>} : vector<32x2048xi32>
      %and3A = arith.constant 15 : i32
      %and3A_43 = vector.broadcast %and3A : i32 to vector<32x2048xi32>
      %and3A_44 = arith.andi %iota3A_42, %and3A_43 : vector<32x2048xi32>
      %shift_right_arithmetic3A = arith.constant 10 : i32
      %shift_right_arithmetic3A_45 = vector.broadcast %shift_right_arithmetic3A : i32 to vector<32x2048xi32>
      %shift_right_arithmetic3A_46 = arith.shrsi %iota3A_42, %shift_right_arithmetic3A_45 : vector<32x2048xi32>
      %and3A_47 = arith.constant 1 : i32
      %and3A_48 = vector.broadcast %and3A_47 : i32 to vector<32x2048xi32>
      %and3A_49 = arith.andi %shift_right_arithmetic3A_46, %and3A_48 : vector<32x2048xi32>
      %shift_left3A = arith.constant 4 : i32
      %shift_left3A_50 = vector.broadcast %shift_left3A : i32 to vector<32x2048xi32>
      %shift_left3A_51 = arith.shli %and3A_49, %shift_left3A_50 : vector<32x2048xi32>
      %add3A_52 = arith.addi %and3A_44, %shift_left3A_51 : vector<32x2048xi32>
      %sub3A = vector.broadcast %slice3A : vector<1x2048xf32> to vector<32x2048xf32>
      %sub3A_53 = vector.broadcast %get3A_35 : vector<32x1xf32> to vector<32x2048xf32>
      %sub3A_54 = arith.subf %sub3A, %sub3A_53 : vector<32x2048xf32>
      %integer_pow3A = arith.mulf %sub3A_54, %sub3A_54 : vector<32x2048xf32>
      %sub3A_55 = vector.broadcast %slice3A_31 : vector<1x2048xf32> to vector<32x2048xf32>
      %sub3A_56 = vector.broadcast %get3A_38 : vector<32x1xf32> to vector<32x2048xf32>
      %sub3A_57 = arith.subf %sub3A_55, %sub3A_56 : vector<32x2048xf32>
      %integer_pow3A_58 = arith.mulf %sub3A_57, %sub3A_57 : vector<32x2048xf32>
      %add3A_59 = arith.addf %integer_pow3A, %integer_pow3A_58 : vector<32x2048xf32>
      %sub3A_60 = vector.broadcast %slice3A_32 : vector<1x2048xf32> to vector<32x2048xf32>
      %sub3A_61 = vector.broadcast %get3A_41 : vector<32x1xf32> to vector<32x2048xf32>
      %sub3A_62 = arith.subf %sub3A_60, %sub3A_61 : vector<32x2048xf32>
      %integer_pow3A_63 = arith.mulf %sub3A_62, %sub3A_62 : vector<32x2048xf32>
      %add3A_64 = arith.addf %add3A_59, %integer_pow3A_63 : vector<32x2048xf32>
      %neg3A = arith.constant 0.000000e+00 : f32
      %neg3A_65 = vector.broadcast %neg3A : f32 to vector<32x2048xf32>
      %neg3A_66 = arith.subf %neg3A_65, %add3A_64 : vector<32x2048xf32>
      %exp3A = math.exp %neg3A_66 : vector<32x2048xf32>
      %eq3A_67 = vector.broadcast %get3A_13 : vector<1x2048xi32> to vector<32x2048xi32>
      %eq3A_68 = arith.cmpi eq, %eq3A_67, %iota3A : vector<32x2048xi32>
      %sub3A_69 = arith.constant 1.000000e+00 : f32
      %sub3A_70 = vector.broadcast %sub3A_69 : f32 to vector<32x2048xf32>
      %sub3A_71 = arith.subf %sub3A_70, %exp3A : vector<32x2048xf32>
      %select_n3A = arith.select %eq3A_68, %sub3A_71, %exp3A : vector<32x2048xi1>, vector<32x2048xf32>
      %mul3A = arith.constant 5.120000e+02 : f32
      %mul3A_72 = vector.broadcast %mul3A : f32 to vector<32x2048xf32>
      %mul3A_73 = arith.mulf %select_n3A, %mul3A_72 : vector<32x2048xf32>
      %floor3A = math.floor %mul3A_73 : vector<32x2048xf32>
      %convert_element_type3A_74 = arith.fptosi %floor3A : vector<32x2048xf32> to vector<32x2048xi32>
      %jit3A = arith.constant 0 : i32
      %jit3A_75 = arith.constant 511 : i32
      %max3A = vector.broadcast %jit3A : i32 to vector<32x2048xi32>
      %max3A_76 = arith.maxsi %max3A, %convert_element_type3A_74 : vector<32x2048xi32>
      %min3A = vector.broadcast %jit3A_75 : i32 to vector<32x2048xi32>
      %min3A_77 = arith.minsi %min3A, %max3A_76 : vector<32x2048xi32>
      %jit3A_78 = arith.constant 3 : i32
      %jit3A_79 = arith.constant 0 : i32
      %broadcast_in_dim3A = vector.broadcast %jit3A_78 : i32 to vector<32x2048xi32>
      %broadcast_in_dim3A_80 = vector.broadcast %jit3A_79 : i32 to vector<32x2048xi32>
      %select_n3A_81 = arith.select %eq3A_68, %broadcast_in_dim3A, %broadcast_in_dim3A_80 : vector<32x2048xi1>, vector<32x2048xi32>
      %sub3A_82 = arith.constant 1 : i32
      %sub3A_83 = vector.broadcast %sub3A_82 : i32 to vector<1x2048xi32>
      %sub3A_84 = arith.subi %get3A_18, %sub3A_83 : vector<1x2048xi32>
      %add3A_85 = vector.broadcast %sub3A_84 : vector<1x2048xi32> to vector<32x2048xi32>
      %add3A_86 = arith.addi %select_n3A_81, %add3A_85 : vector<32x2048xi32>
      %mul3A_87 = arith.constant 20 : i32
      %mul3A_88 = vector.broadcast %mul3A_87 : i32 to vector<32x2048xi32>
      %mul3A_89 = arith.muli %add3A_86, %mul3A_88 : vector<32x2048xi32>
      %add3A_90 = arith.addi %mul3A_89, %iota3A : vector<32x2048xi32>
      %mul3A_91 = arith.constant 512 : i32
      %mul3A_92 = vector.broadcast %mul3A_91 : i32 to vector<32x2048xi32>
      %mul3A_93 = arith.muli %add3A_90, %mul3A_92 : vector<32x2048xi32>
      %add3A_94 = arith.addi %mul3A_93, %min3A_77 : vector<32x2048xi32>
      %lt3A = arith.constant 1 : i32
      %lt3A_95 = vector.broadcast %lt3A : i32 to vector<1x2048xi32>
      %lt3A_96 = arith.cmpi slt, %get3A_18, %lt3A_95 : vector<1x2048xi32>
      %gt3A = arith.constant 3 : i32
      %gt3A_97 = vector.broadcast %gt3A : i32 to vector<1x2048xi32>
      %gt3A_98 = arith.cmpi sgt, %get3A_18, %gt3A_97 : vector<1x2048xi32>
      %or3A = arith.ori %lt3A_96, %gt3A_98 : vector<1x2048xi1>
      %eq3A_99 = arith.constant 0 : i32
      %eq3A_100 = vector.broadcast %eq3A_99 : i32 to vector<32x2048xi32>
      %eq3A_101 = arith.cmpi eq, %min3A_77, %eq3A_100 : vector<32x2048xi32>
      %or3A_102 = vector.broadcast %or3A : vector<1x2048xi1> to vector<32x2048xi1>
      %or3A_103 = arith.ori %or3A_102, %eq3A_101 : vector<32x2048xi1>
      %lt3A_104 = arith.constant 0 : i32
      %lt3A_105 = vector.broadcast %lt3A_104 : i32 to vector<1x2048xi32>
      %lt3A_106 = arith.cmpi slt, %get3A_13, %lt3A_105 : vector<1x2048xi32>
      %or3A_107 = vector.broadcast %lt3A_106 : vector<1x2048xi1> to vector<32x2048xi1>
      %or3A_108 = arith.ori %or3A_103, %or3A_107 : vector<32x2048xi1>
      %ge3A = arith.constant 20 : i32
      %ge3A_109 = vector.broadcast %ge3A : i32 to vector<32x2048xi32>
      %ge3A_110 = arith.cmpi sge, %iota3A, %ge3A_109 : vector<32x2048xi32>
      %or3A_111 = arith.ori %or3A_108, %ge3A_110 : vector<32x2048xi1>
      %add3A_112 = arith.constant 61440 : i32
      %add3A_113 = vector.broadcast %add3A_112 : i32 to vector<32x2048xi32>
      %add3A_114 = arith.addi %add3A_113, %add3A_52 : vector<32x2048xi32>
      %select_n3A_115 = arith.select %or3A_111, %add3A_114, %add3A_94 : vector<32x2048xi1>, vector<32x2048xi32>
      %slice3A_116 = vector.extract_strided_slice %select_n3A_115 {offsets = [0, 0], sizes = [32, 1024], strides = [1, 1]} : vector<32x2048xi32> to vector<32x1024xi32>
      %slice3A_117 = vector.extract_strided_slice %select_n3A_115 {offsets = [0, 1024], sizes = [32, 1024], strides = [1, 1]} : vector<32x2048xi32> to vector<32x1024xi32>
      %shift_left3A_118 = arith.constant 16 : i32
      %shift_left3A_119 = vector.broadcast %shift_left3A_118 : i32 to vector<32x1024xi32>
      %shift_left3A_120 = arith.shli %slice3A_117, %shift_left3A_119 : vector<32x1024xi32>
      %or3A_121 = arith.ori %slice3A_116, %shift_left3A_120 : vector<32x1024xi32>
      %slice3A_122 = vector.extract_strided_slice %or3A_121 {offsets = [0, 0], sizes = [20, 1024], strides = [1, 1]} : vector<32x1024xi32> to vector<20x1024xi32>
      %swap3A = arith.constant 0 : index
      %swap3A_123 = arith.constant 0 : index
      %swap3A_124 = arith.constant 0 : index
      %swap3A_125 = vector.load %arg10[%swap3A, %swap3A_123, %swap3A_124] : memref<1x20x1024xi32, #tpu.memory_space<vmem>>, vector<1x20x1024xi32>
      %swap3A_126 = vector.shape_cast %swap3A_125 : vector<1x20x1024xi32> to vector<20x1024xi32>
      %swap3A_127 = vector.shape_cast %slice3A_122 : vector<20x1024xi32> to vector<1x20x1024xi32>
      tpu.vector_store %arg10[%swap3A, %swap3A_123, %swap3A_124], %swap3A_127 {strides = array<i32>} : memref<1x20x1024xi32, #tpu.memory_space<vmem>>, vector<1x20x1024xi32>,
    } else {
    }
    return
  }
  func.func @transform_0(%arg0: i32, %arg1: i32, %arg2: i32) -> (i32, i32, i32) {
    %c0_i32 = arith.constant 0 : i32
    %c0_i32_0 = arith.constant 0 : i32
    return %arg0, %c0_i32, %arg2 : i32, i32, i32
  }
  func.func @transform_1(%arg0: i32, %arg1: i32, %arg2: i32) -> (i32, i32, i32) {
    %c0_i32 = arith.constant 0 : i32
    %c0_i32_0 = arith.constant 0 : i32
    return %arg0, %c0_i32, %arg2 : i32, i32, i32
  }
  func.func @transform_2(%arg0: i32, %arg1: i32, %arg2: i32) -> (i32, i32, i32) {
    %c0_i32 = arith.constant 0 : i32
    %c0_i32_0 = arith.constant 0 : i32
    return %arg0, %c0_i32, %arg2 : i32, i32, i32
  }
  func.func @transform_3(%arg0: i32, %arg1: i32, %arg2: i32) -> (i32, i32, i32) {
    %c0_i32 = arith.constant 0 : i32
    %c0_i32_0 = arith.constant 0 : i32
    return %arg0, %c0_i32, %arg2 : i32, i32, i32
  }
  func.func @transform_4(%arg0: i32, %arg1: i32, %arg2: i32) -> (i32, i32, i32) {
    %c0_i32 = arith.constant 0 : i32
    %c0_i32_0 = arith.constant 0 : i32
    %c0_i32_1 = arith.constant 0 : i32
    return %arg0, %c0_i32, %c0_i32_0 : i32, i32, i32
  }
  func.func @transform_5(%arg0: i32, %arg1: i32, %arg2: i32) -> (i32, i32, i32) {
    %c0_i32 = arith.constant 0 : i32
    %c0_i32_0 = arith.constant 0 : i32
    %c0_i32_1 = arith.constant 0 : i32
    return %arg0, %c0_i32, %c0_i32_0 : i32, i32, i32
  }
  func.func @transform_6(%arg0: i32, %arg1: i32, %arg2: i32) -> (i32, i32, i32) {
    %c0_i32 = arith.constant 0 : i32
    %c0_i32_0 = arith.constant 0 : i32
    %c0_i32_1 = arith.constant 0 : i32
    return %arg0, %c0_i32, %c0_i32_0 : i32, i32, i32
  }
  func.func @transform_7(%arg0: i32, %arg1: i32, %arg2: i32) -> (i32, i32, i32) {
    %c0_i32 = arith.constant 0 : i32
    %c0_i32_0 = arith.constant 0 : i32
    return %arg0, %c0_i32, %arg2 : i32, i32, i32
  }
}

module attributes {stable_mosaic.version = 14 : i64} {
  func.func @_loss_body(%arg0: i32, %arg1: memref<1x16x128x512xi32, #tpu.memory_space<vmem>>, %arg2: memref<1x128x128xf32, #tpu.memory_space<vmem>>, %arg3: memref<8x128xf32, #tpu.memory_space<vmem>>, %arg4: memref<2xf32, #tpu.memory_space<smem>>) attributes {dimension_semantics = [#tpu.dimension_semantics<arbitrary>], iteration_bounds = array<i64: 2>, scalar_prefetch = 0 : i64, scratch_operands = 1 : i64, tpu.core_type = #tpu.core_type<tc>, window_params = [{transform_indices = @transform_0, window_bounds = array<i64: 1, 16, 128, 512>}, {transform_indices = @transform_1, window_bounds = array<i64: 1, 128, 128>}, {pipeline_mode = #tpu.pipeline_mode<synchronous>, transform_indices = @transform_2, window_bounds = array<i64: 8, 128>}]} {
    %get3A = arith.constant 0 : index
    %get3A_0 = arith.constant 0 : index
    %get3A_1 = arith.constant 0 : index
    %get3A_2 = arith.constant 0 : index
    %get3A_3 = vector.load %arg1[%get3A, %get3A_0, %get3A_1, %get3A_2] : memref<1x16x128x512xi32, #tpu.memory_space<vmem>>, vector<1x1x128x512xi32>
    %get3A_4 = vector.shape_cast %get3A_3 : vector<1x1x128x512xi32> to vector<128x512xi32>
    %convert_element_type3A = arith.sitofp %get3A_4 : vector<128x512xi32> to vector<128x512xf32>
    %get3A_5 = arith.constant 0 : index
    %get3A_6 = arith.constant 1 : index
    %get3A_7 = arith.constant 0 : index
    %get3A_8 = arith.constant 0 : index
    %get3A_9 = vector.load %arg1[%get3A_5, %get3A_6, %get3A_7, %get3A_8] : memref<1x16x128x512xi32, #tpu.memory_space<vmem>>, vector<1x1x128x512xi32>
    %get3A_10 = vector.shape_cast %get3A_9 : vector<1x1x128x512xi32> to vector<128x512xi32>
    %convert_element_type3A_11 = arith.sitofp %get3A_10 : vector<128x512xi32> to vector<128x512xf32>
    %add3A = arith.addf %convert_element_type3A, %convert_element_type3A_11 : vector<128x512xf32>
    %get3A_12 = arith.constant 0 : index
    %get3A_13 = arith.constant 2 : index
    %get3A_14 = arith.constant 0 : index
    %get3A_15 = arith.constant 0 : index
    %get3A_16 = vector.load %arg1[%get3A_12, %get3A_13, %get3A_14, %get3A_15] : memref<1x16x128x512xi32, #tpu.memory_space<vmem>>, vector<1x1x128x512xi32>
    %get3A_17 = vector.shape_cast %get3A_16 : vector<1x1x128x512xi32> to vector<128x512xi32>
    %convert_element_type3A_18 = arith.sitofp %get3A_17 : vector<128x512xi32> to vector<128x512xf32>
    %add3A_19 = arith.addf %add3A, %convert_element_type3A_18 : vector<128x512xf32>
    %get3A_20 = arith.constant 0 : index
    %get3A_21 = arith.constant 3 : index
    %get3A_22 = arith.constant 0 : index
    %get3A_23 = arith.constant 0 : index
    %get3A_24 = vector.load %arg1[%get3A_20, %get3A_21, %get3A_22, %get3A_23] : memref<1x16x128x512xi32, #tpu.memory_space<vmem>>, vector<1x1x128x512xi32>
    %get3A_25 = vector.shape_cast %get3A_24 : vector<1x1x128x512xi32> to vector<128x512xi32>
    %convert_element_type3A_26 = arith.sitofp %get3A_25 : vector<128x512xi32> to vector<128x512xf32>
    %add3A_27 = arith.addf %add3A_19, %convert_element_type3A_26 : vector<128x512xf32>
    %get3A_28 = arith.constant 0 : index
    %get3A_29 = arith.constant 4 : index
    %get3A_30 = arith.constant 0 : index
    %get3A_31 = arith.constant 0 : index
    %get3A_32 = vector.load %arg1[%get3A_28, %get3A_29, %get3A_30, %get3A_31] : memref<1x16x128x512xi32, #tpu.memory_space<vmem>>, vector<1x1x128x512xi32>
    %get3A_33 = vector.shape_cast %get3A_32 : vector<1x1x128x512xi32> to vector<128x512xi32>
    %convert_element_type3A_34 = arith.sitofp %get3A_33 : vector<128x512xi32> to vector<128x512xf32>
    %add3A_35 = arith.addf %add3A_27, %convert_element_type3A_34 : vector<128x512xf32>
    %get3A_36 = arith.constant 0 : index
    %get3A_37 = arith.constant 5 : index
    %get3A_38 = arith.constant 0 : index
    %get3A_39 = arith.constant 0 : index
    %get3A_40 = vector.load %arg1[%get3A_36, %get3A_37, %get3A_38, %get3A_39] : memref<1x16x128x512xi32, #tpu.memory_space<vmem>>, vector<1x1x128x512xi32>
    %get3A_41 = vector.shape_cast %get3A_40 : vector<1x1x128x512xi32> to vector<128x512xi32>
    %convert_element_type3A_42 = arith.sitofp %get3A_41 : vector<128x512xi32> to vector<128x512xf32>
    %add3A_43 = arith.addf %add3A_35, %convert_element_type3A_42 : vector<128x512xf32>
    %get3A_44 = arith.constant 0 : index
    %get3A_45 = arith.constant 6 : index
    %get3A_46 = arith.constant 0 : index
    %get3A_47 = arith.constant 0 : index
    %get3A_48 = vector.load %arg1[%get3A_44, %get3A_45, %get3A_46, %get3A_47] : memref<1x16x128x512xi32, #tpu.memory_space<vmem>>, vector<1x1x128x512xi32>
    %get3A_49 = vector.shape_cast %get3A_48 : vector<1x1x128x512xi32> to vector<128x512xi32>
    %convert_element_type3A_50 = arith.sitofp %get3A_49 : vector<128x512xi32> to vector<128x512xf32>
    %add3A_51 = arith.addf %add3A_43, %convert_element_type3A_50 : vector<128x512xf32>
    %get3A_52 = arith.constant 0 : index
    %get3A_53 = arith.constant 7 : index
    %get3A_54 = arith.constant 0 : index
    %get3A_55 = arith.constant 0 : index
    %get3A_56 = vector.load %arg1[%get3A_52, %get3A_53, %get3A_54, %get3A_55] : memref<1x16x128x512xi32, #tpu.memory_space<vmem>>, vector<1x1x128x512xi32>
    %get3A_57 = vector.shape_cast %get3A_56 : vector<1x1x128x512xi32> to vector<128x512xi32>
    %convert_element_type3A_58 = arith.sitofp %get3A_57 : vector<128x512xi32> to vector<128x512xf32>
    %add3A_59 = arith.addf %add3A_51, %convert_element_type3A_58 : vector<128x512xf32>
    %get3A_60 = arith.constant 0 : index
    %get3A_61 = arith.constant 8 : index
    %get3A_62 = arith.constant 0 : index
    %get3A_63 = arith.constant 0 : index
    %get3A_64 = vector.load %arg1[%get3A_60, %get3A_61, %get3A_62, %get3A_63] : memref<1x16x128x512xi32, #tpu.memory_space<vmem>>, vector<1x1x128x512xi32>
    %get3A_65 = vector.shape_cast %get3A_64 : vector<1x1x128x512xi32> to vector<128x512xi32>
    %convert_element_type3A_66 = arith.sitofp %get3A_65 : vector<128x512xi32> to vector<128x512xf32>
    %add3A_67 = arith.addf %add3A_59, %convert_element_type3A_66 : vector<128x512xf32>
    %get3A_68 = arith.constant 0 : index
    %get3A_69 = arith.constant 9 : index
    %get3A_70 = arith.constant 0 : index
    %get3A_71 = arith.constant 0 : index
    %get3A_72 = vector.load %arg1[%get3A_68, %get3A_69, %get3A_70, %get3A_71] : memref<1x16x128x512xi32, #tpu.memory_space<vmem>>, vector<1x1x128x512xi32>
    %get3A_73 = vector.shape_cast %get3A_72 : vector<1x1x128x512xi32> to vector<128x512xi32>
    %convert_element_type3A_74 = arith.sitofp %get3A_73 : vector<128x512xi32> to vector<128x512xf32>
    %add3A_75 = arith.addf %add3A_67, %convert_element_type3A_74 : vector<128x512xf32>
    %get3A_76 = arith.constant 0 : index
    %get3A_77 = arith.constant 10 : index
    %get3A_78 = arith.constant 0 : index
    %get3A_79 = arith.constant 0 : index
    %get3A_80 = vector.load %arg1[%get3A_76, %get3A_77, %get3A_78, %get3A_79] : memref<1x16x128x512xi32, #tpu.memory_space<vmem>>, vector<1x1x128x512xi32>
    %get3A_81 = vector.shape_cast %get3A_80 : vector<1x1x128x512xi32> to vector<128x512xi32>
    %convert_element_type3A_82 = arith.sitofp %get3A_81 : vector<128x512xi32> to vector<128x512xf32>
    %add3A_83 = arith.addf %add3A_75, %convert_element_type3A_82 : vector<128x512xf32>
    %get3A_84 = arith.constant 0 : index
    %get3A_85 = arith.constant 11 : index
    %get3A_86 = arith.constant 0 : index
    %get3A_87 = arith.constant 0 : index
    %get3A_88 = vector.load %arg1[%get3A_84, %get3A_85, %get3A_86, %get3A_87] : memref<1x16x128x512xi32, #tpu.memory_space<vmem>>, vector<1x1x128x512xi32>
    %get3A_89 = vector.shape_cast %get3A_88 : vector<1x1x128x512xi32> to vector<128x512xi32>
    %convert_element_type3A_90 = arith.sitofp %get3A_89 : vector<128x512xi32> to vector<128x512xf32>
    %add3A_91 = arith.addf %add3A_83, %convert_element_type3A_90 : vector<128x512xf32>
    %get3A_92 = arith.constant 0 : index
    %get3A_93 = arith.constant 12 : index
    %get3A_94 = arith.constant 0 : index
    %get3A_95 = arith.constant 0 : index
    %get3A_96 = vector.load %arg1[%get3A_92, %get3A_93, %get3A_94, %get3A_95] : memref<1x16x128x512xi32, #tpu.memory_space<vmem>>, vector<1x1x128x512xi32>
    %get3A_97 = vector.shape_cast %get3A_96 : vector<1x1x128x512xi32> to vector<128x512xi32>
    %convert_element_type3A_98 = arith.sitofp %get3A_97 : vector<128x512xi32> to vector<128x512xf32>
    %add3A_99 = arith.addf %add3A_91, %convert_element_type3A_98 : vector<128x512xf32>
    %get3A_100 = arith.constant 0 : index
    %get3A_101 = arith.constant 13 : index
    %get3A_102 = arith.constant 0 : index
    %get3A_103 = arith.constant 0 : index
    %get3A_104 = vector.load %arg1[%get3A_100, %get3A_101, %get3A_102, %get3A_103] : memref<1x16x128x512xi32, #tpu.memory_space<vmem>>, vector<1x1x128x512xi32>
    %get3A_105 = vector.shape_cast %get3A_104 : vector<1x1x128x512xi32> to vector<128x512xi32>
    %convert_element_type3A_106 = arith.sitofp %get3A_105 : vector<128x512xi32> to vector<128x512xf32>
    %add3A_107 = arith.addf %add3A_99, %convert_element_type3A_106 : vector<128x512xf32>
    %get3A_108 = arith.constant 0 : index
    %get3A_109 = arith.constant 14 : index
    %get3A_110 = arith.constant 0 : index
    %get3A_111 = arith.constant 0 : index
    %get3A_112 = vector.load %arg1[%get3A_108, %get3A_109, %get3A_110, %get3A_111] : memref<1x16x128x512xi32, #tpu.memory_space<vmem>>, vector<1x1x128x512xi32>
    %get3A_113 = vector.shape_cast %get3A_112 : vector<1x1x128x512xi32> to vector<128x512xi32>
    %convert_element_type3A_114 = arith.sitofp %get3A_113 : vector<128x512xi32> to vector<128x512xf32>
    %add3A_115 = arith.addf %add3A_107, %convert_element_type3A_114 : vector<128x512xf32>
    %get3A_116 = arith.constant 0 : index
    %get3A_117 = arith.constant 15 : index
    %get3A_118 = arith.constant 0 : index
    %get3A_119 = arith.constant 0 : index
    %get3A_120 = vector.load %arg1[%get3A_116, %get3A_117, %get3A_118, %get3A_119] : memref<1x16x128x512xi32, #tpu.memory_space<vmem>>, vector<1x1x128x512xi32>
    %get3A_121 = vector.shape_cast %get3A_120 : vector<1x1x128x512xi32> to vector<128x512xi32>
    %convert_element_type3A_122 = arith.sitofp %get3A_121 : vector<128x512xi32> to vector<128x512xf32>
    %add3A_123 = arith.addf %add3A_115, %convert_element_type3A_122 : vector<128x512xf32>
    %iota3A = tpu.iota {dimensions = array<i32: 0>} : vector<512x512xi32>
    %iota3A_124 = tpu.iota {dimensions = array<i32: 1>} : vector<512x512xi32>
    %le3A = arith.cmpi sle, %iota3A, %iota3A_124 : vector<512x512xi32>
    %convert_element_type3A_125 = arith.extui %le3A : vector<512x512xi1> to vector<512x512xi32>
    %convert_element_type3A_126 = arith.sitofp %convert_element_type3A_125 : vector<512x512xi32> to vector<512x512xf32>
    %dot_general3A = arith.constant dense<0.000000e+00> : vector<128x512xf32>
    %dot_general3A_127 = tpu.matmul %add3A_123, %convert_element_type3A_126, %dot_general3A {dimension_numbers = #tpu.dot_dimension_numbers<[1], [1], [0], [0], [0, 0, 1, 0], [], []>, transpose_lhs_hint = false} : vector<128x512xf32>, vector<512x512xf32>, vector<128x512xf32> -> vector<128x512xf32>
    %iota3A_128 = tpu.iota {dimensions = array<i32: 0>} : vector<128x128xi32>
    %iota3A_129 = tpu.iota {dimensions = array<i32: 1>} : vector<128x128xi32>
    %add3A_130 = arith.constant 60 : i32
    %add3A_131 = vector.broadcast %add3A_130 : i32 to vector<128x128xi32>
    %add3A_132 = arith.addi %iota3A_128, %add3A_131 : vector<128x128xi32>
    %eq3A = arith.cmpi eq, %iota3A_129, %add3A_132 : vector<128x128xi32>
    %convert_element_type3A_133 = arith.extui %eq3A : vector<128x128xi1> to vector<128x128xi32>
    %convert_element_type3A_134 = arith.sitofp %convert_element_type3A_133 : vector<128x128xi32> to vector<128x128xf32>
    %dot_general3A_135 = arith.constant dense<0.000000e+00> : vector<128x512xf32>
    %dot_general3A_136 = tpu.matmul %convert_element_type3A_134, %dot_general3A_127, %dot_general3A_135 {dimension_numbers = #tpu.dot_dimension_numbers<[1], [0], [0], [1], [0, 0, 1, 1], [], []>, transpose_lhs_hint = false} : vector<128x128xf32>, vector<128x512xf32>, vector<128x512xf32> -> vector<128x512xf32>
    %get3A_137 = arith.constant 0 : index
    %get3A_138 = arith.constant 0 : index
    %get3A_139 = arith.constant 0 : index
    %get3A_140 = vector.load %arg2[%get3A_137, %get3A_138, %get3A_139] : memref<1x128x128xf32, #tpu.memory_space<vmem>>, vector<1x128x1xf32>
    %get3A_141 = vector.shape_cast %get3A_140 : vector<1x128x1xf32> to vector<128x1xf32>
    %get3A_142 = arith.constant 0 : index
    %get3A_143 = arith.constant 0 : index
    %get3A_144 = arith.constant 1 : index
    %get3A_145 = vector.load %arg2[%get3A_142, %get3A_143, %get3A_144] : memref<1x128x128xf32, #tpu.memory_space<vmem>>, vector<1x128x1xf32>
    %get3A_146 = vector.shape_cast %get3A_145 : vector<1x128x1xf32> to vector<128x1xf32>
    %get3A_147 = arith.constant 0 : index
    %get3A_148 = arith.constant 0 : index
    %get3A_149 = arith.constant 2 : index
    %get3A_150 = vector.load %arg2[%get3A_147, %get3A_148, %get3A_149] : memref<1x128x128xf32, #tpu.memory_space<vmem>>, vector<1x128x1xf32>
    %get3A_151 = vector.shape_cast %get3A_150 : vector<1x128x1xf32> to vector<128x1xf32>
    %get3A_152 = arith.constant 0 : index
    %get3A_153 = arith.constant 0 : index
    %get3A_154 = arith.constant 3 : index
    %get3A_155 = vector.load %arg2[%get3A_152, %get3A_153, %get3A_154] : memref<1x128x128xf32, #tpu.memory_space<vmem>>, vector<1x128x1xf32>
    %get3A_156 = vector.shape_cast %get3A_155 : vector<1x128x1xf32> to vector<128x1xf32>
    %add3A_157 = vector.broadcast %get3A_146 : vector<128x1xf32> to vector<128x512xf32>
    %add3A_158 = arith.addf %dot_general3A_136, %add3A_157 : vector<128x512xf32>
    %add3A_159 = vector.broadcast %get3A_141 : vector<128x1xf32> to vector<128x512xf32>
    %add3A_160 = arith.addf %add3A_159, %dot_general3A_127 : vector<128x512xf32>
    %gt3A = arith.constant 0.000000e+00 : f32
    %gt3A_161 = vector.broadcast %gt3A : f32 to vector<128x512xf32>
    %gt3A_162 = arith.cmpf ogt, %add3A_160, %gt3A_161 : vector<128x512xf32>
    %sub3A = vector.broadcast %get3A_141 : vector<128x1xf32> to vector<128x512xf32>
    %sub3A_163 = arith.subf %sub3A, %add3A_158 : vector<128x512xf32>
    %max3A = arith.constant 1.000000e+00 : f32
    %max3A_164 = vector.broadcast %max3A : f32 to vector<128x512xf32>
    %max3A_165 = arith.maximumf %add3A_160, %max3A_164 : vector<128x512xf32>
    %div3A = arith.divf %sub3A_163, %max3A_165 : vector<128x512xf32>
    %sub3A_166 = arith.constant 1.000000e+00 : f32
    %sub3A_167 = vector.broadcast %sub3A_166 : f32 to vector<128x512xf32>
    %sub3A_168 = arith.subf %sub3A_167, %div3A : vector<128x512xf32>
    %jit3A = arith.constant 0.000000e+00 : f32
    %broadcast_in_dim3A = vector.broadcast %jit3A : f32 to vector<128x512xf32>
    %select_n3A = arith.select %gt3A_162, %sub3A_168, %broadcast_in_dim3A : vector<128x512xi1>, vector<128x512xf32>
    %iota3A_169 = tpu.iota {dimensions = array<i32: 1>} : vector<128x512xi32>
    %ge3A = arith.constant 1 : i32
    %ge3A_170 = vector.broadcast %ge3A : i32 to vector<128x512xi32>
    %ge3A_171 = arith.cmpi sge, %iota3A_169, %ge3A_170 : vector<128x512xi32>
    %jit3A_172 = arith.constant 0.000000e+00 : f32
    %broadcast_in_dim3A_173 = vector.broadcast %jit3A_172 : f32 to vector<128x512xf32>
    %select_n3A_174 = arith.select %ge3A_171, %select_n3A, %broadcast_in_dim3A_173 : vector<128x512xi1>, vector<128x512xf32>
    %reduce_sum3A = arith.constant dense<0.000000e+00> : vector<128xf32>
    %reduce_sum3A_175 = vector.multi_reduction <add>, %select_n3A_174, %reduce_sum3A [1] : vector<128x512xf32> to vector<128xf32>
    %broadcast_in_dim3A_176 = vector.shape_cast %reduce_sum3A_175 : vector<128xf32> to vector<128x1xf32>
    %add3A_177 = arith.addf %get3A_156, %broadcast_in_dim3A_176 : vector<128x1xf32>
    %mul3A = arith.constant 0.001953125 : f32
    %mul3A_178 = vector.broadcast %mul3A : f32 to vector<128x1xf32>
    %mul3A_179 = arith.mulf %add3A_177, %mul3A_178 : vector<128x1xf32>
    %mul3A_180 = arith.mulf %mul3A_179, %get3A_151 : vector<128x1xf32>
    %reduce_sum3A_181 = vector.shape_cast %mul3A_180 : vector<128x1xf32> to vector<1x128x1xf32>
    %reduce_sum3A_182 = arith.constant dense<0.000000e+00> : vector<1xf32>
    %reduce_sum3A_183 = vector.multi_reduction <add>, %reduce_sum3A_181, %reduce_sum3A_182 [1, 2] : vector<1x128x1xf32> to vector<1xf32>
    %reduce_sum3A_184 = vector.shape_cast %reduce_sum3A_183 : vector<1xf32> to vector<1x1x1xf32>
    %reduce_sum3A_185 = vector.extract %reduce_sum3A_184[0, 0, 0] : f32 from vector<1x1x1xf32>
    %reduce_sum3A_186 = vector.shape_cast %get3A_151 : vector<128x1xf32> to vector<1x128x1xf32>
    %reduce_sum3A_187 = arith.constant dense<0.000000e+00> : vector<1xf32>
    %reduce_sum3A_188 = vector.multi_reduction <add>, %reduce_sum3A_186, %reduce_sum3A_187 [1, 2] : vector<1x128x1xf32> to vector<1xf32>
    %reduce_sum3A_189 = vector.shape_cast %reduce_sum3A_188 : vector<1xf32> to vector<1x1x1xf32>
    %reduce_sum3A_190 = vector.extract %reduce_sum3A_189[0, 0, 0] : f32 from vector<1x1x1xf32>
    %eq3A_191 = arith.constant 0 : i32
    %eq3A_192 = arith.cmpi eq, %arg0, %eq3A_191 : i32
    %convert_element_type3A_193 = arith.extui %eq3A_192 : i1 to i32
    %cond3A = arith.constant 0 : i32
    %cond3A_194 = arith.cmpi ne, %convert_element_type3A_193, %cond3A : i32
    scf.if %cond3A_194 {
      %swap3A = arith.constant 0 : index
      %swap3A_200 = memref.load %arg4[%swap3A] : memref<2xf32, #tpu.memory_space<smem>>
      memref.store %reduce_sum3A_185, %arg4[%swap3A] : memref<2xf32, #tpu.memory_space<smem>>
      %swap3A_201 = arith.constant 1 : index
      %swap3A_202 = memref.load %arg4[%swap3A_201] : memref<2xf32, #tpu.memory_space<smem>>
      memref.store %reduce_sum3A_190, %arg4[%swap3A_201] : memref<2xf32, #tpu.memory_space<smem>>
    } else {
    }
    %eq3A_195 = arith.constant 1 : i32
    %eq3A_196 = arith.cmpi eq, %arg0, %eq3A_195 : i32
    %convert_element_type3A_197 = arith.extui %eq3A_196 : i1 to i32
    %cond3A_198 = arith.constant 0 : i32
    %cond3A_199 = arith.cmpi ne, %convert_element_type3A_197, %cond3A_198 : i32
    scf.if %cond3A_199 {
      %get3A_200 = arith.constant 0 : index
      %get3A_201 = memref.load %arg4[%get3A_200] : memref<2xf32, #tpu.memory_space<smem>>
      %add3A_202 = arith.addf %get3A_201, %reduce_sum3A_185 : f32
      %get3A_203 = arith.constant 1 : index
      %get3A_204 = memref.load %arg4[%get3A_203] : memref<2xf32, #tpu.memory_space<smem>>
      %add3A_205 = arith.addf %get3A_204, %reduce_sum3A_190 : f32
      %gt3A_206 = arith.constant 0.000000e+00 : f32
      %gt3A_207 = arith.cmpf ogt, %add3A_205, %gt3A_206 : f32
      %max3A_208 = arith.constant 1.000000e+00 : f32
      %max3A_209 = arith.maximumf %add3A_205, %max3A_208 : f32
      %div3A_210 = arith.divf %add3A_202, %max3A_209 : f32
      %jit3A_211 = arith.constant 0.000000e+00 : f32
      %select_n3A_212 = arith.select %gt3A_207, %div3A_210, %jit3A_211 : f32
      %broadcast_in_dim3A_213 = vector.broadcast %select_n3A_212 : f32 to vector<8x128xf32>
      %swap3A = arith.constant 0 : index
      %swap3A_214 = arith.constant 0 : index
      %swap3A_215 = vector.load %arg3[%swap3A, %swap3A_214] : memref<8x128xf32, #tpu.memory_space<vmem>>, vector<8x128xf32>
      tpu.vector_store %arg3[%swap3A, %swap3A_214], %broadcast_in_dim3A_213 {strides = array<i32>} : memref<8x128xf32, #tpu.memory_space<vmem>>, vector<8x128xf32>,
    } else {
    }
    return
  }
  func.func @transform_0(%arg0: i32) -> (i32, i32, i32, i32) {
    %c0_i32 = arith.constant 0 : i32
    %c0_i32_0 = arith.constant 0 : i32
    %c0_i32_1 = arith.constant 0 : i32
    %c0_i32_2 = arith.constant 0 : i32
    return %arg0, %c0_i32, %c0_i32_0, %c0_i32_1 : i32, i32, i32, i32
  }
  func.func @transform_1(%arg0: i32) -> (i32, i32, i32) {
    %c0_i32 = arith.constant 0 : i32
    %c0_i32_0 = arith.constant 0 : i32
    %c0_i32_1 = arith.constant 0 : i32
    return %arg0, %c0_i32, %c0_i32_0 : i32, i32, i32
  }
  func.func @transform_2(%arg0: i32) -> (i32, i32) {
    %c0_i32 = arith.constant 0 : i32
    %c0_i32_0 = arith.constant 0 : i32
    %c0_i32_1 = arith.constant 0 : i32
    return %c0_i32, %c0_i32_0 : i32, i32
  }
}

</mosaic_0001>

<sc_bundles>
// kernel: kernel.5.cloned.1.call-start
scs
__scs_entry_jumppad:
0x0: {  	(pc) =	sbr.rel $0x88, $3  }
0x1: {  	(tag) =	ssettag $0x0;
	lr =	simm.s32 $0x1  }
0x2: {  	[smem:$0x3F9D] =	sst lr;
	_ =	strace $0xD0000000  }
0x3: {  	_ = 	snop  }
0x4: {  	_ = 	snop  }
0x5: {  	_ = 	snop  }
0x6: {  	_ = 	snop  }
0x7: {  	_ = 	snop  }
__scs_overlays_trampoline_lowered:
0x8: {  	[smem:$0x3FAC] =	sst s0  }
0x9: {  	[smem:$0x3FAD] =	sst s1  }
0xa: {  	[smem:$0x3FAE] =	sst s2  }
0xb: {  	[smem:$0x3FAF] =	sst s3  }
0xc: {  	[smem:$0x3FB0] =	sst s4  }
0xd: {  	[smem:$0x3FB1] =	sst s5  }
0xe: {  	[smem:$0x3FB2] =	sst s6  }
0xf: {  	[smem:$0x3FB3] =	sst s7  }
0x10: {  	[smem:$0x3FB4] =	sst s8  }
0x11: {  	[smem:$0x3FB5] =	sst s9;
	s0 =	simm.s32 @!p0 $0x0  }
0x12: {  	s1 =	sld [smem:$0x3F9B];
	s0 =	simm.s32 @p0 $0x1  }
0x13: {  	[smem:$0x3FB6] =	sst s0;
	s0 =	simm.s32 @!p1 $0x0  }
0x14: {  	s2 =	sld [smem:$0x3F9A];
	s0 =	simm.s32 @p1 $0x1  }
0x15: {  	[smem:$0x3FB7] =	sst s0;
	s0 =	simm.s32 @!p2 $0x0  }
0x16: {  	s3 =	sld [smem:$0x3FDB];
	s0 =	simm.s32 @p2 $0x1  }
0x17: {  	s4 =	simm.s32 $0x1BF5;
	[smem:$0x3FB9] =	sst s0  }
0x18: {  	s0 =	sld [smem:$0x3F9C];
	_ =	swait.ge [sflag:s4], $0x0  }
0x19: {  	s7 =	sld [smem:$0x3F9D]  }
0x1a: {  	s8 =	sadd.s32 $0xFFFFE003, lr  }
0x1b: {  	s9 =	sadd.s32 $0xFFFFFEF7, lr;
	s5 =	simm.s32 $0xFFFFFFFF;
	p2 =	slt.u32 s8, $0xFFFFF086  }
0x1c: {  	p1 =	slt.u32 s9, $0xF7A;
	s5 =	simm.s32 @!p2 $0x0  }
0x1d: {  	s5 =	simm.s32 @p1 $0x1;
	p0 =	seq.s32 s7, s2  }
0x1e: {  	s7 =	smul.u32 @!p0 $0xF7A, s2;
	p2 =	seq.s32 @!p0 s5, $0x0  }
0x1f: {  	s9 =	smul.u32 $0xF7A, s1;
	s8 =	simm.s32 @!p0 $0x1BF5;
	p2 =	por !p2, p0  }
0x20: {  	[sflag:s8] =	ssyncset.s32 @!p0 $0xFFFFF086;
	s6 =	sadd.s32 @!p0 s3, s7;
	s7 =	simm.s32 @!p0 $0x108  }
0x21: {  	s3 =	sadd.s32 s3, s9;
	s6 =	sadd.s32 @!p0 $0x88, s6;
	s7 =	simm.s32 @p2 $0x1082  }
0x22: {  	[simem:s7], [sflag:s8] =	dma.local @!p0 [hbm:s6], $0xF7A  }
0x23: {  	s9 =	sor.u32 $0xD0000000, s2;
	s6 =	simm.s32 $0x108;
	_ =	swait.ge @!p0 [sflag:s8], $0x0  }
0x24: {  	s3 =	sadd.s32 $0x88, s3;
	s6 =	simm.s32 @!p1 $0x1082;
	[sflag:s4] =	ssyncset.s32 $0xFFFFF086  }
0x25: {  	[simem:s6], [sflag:s4] =	dma.local [hbm:s3], $0xF7A  }
0x26: {  	[smem:$0x3F9D] =	sst s1;
	(tag) =	ssettag s2;
	_ =	strace s9  }
0x27: {  	s1 =	sld [smem:$0x3FAD]  }
0x28: {  	s2 =	sld [smem:$0x3FAE]  }
0x29: {  	s4 =	sld [smem:$0x3FB0]  }
0x2a: {  	p0 =	seq.s32 s5, $0x0;
	s5 =	sld [smem:$0x3FB1]  }
0x2b: {  	s6 =	sld [smem:$0x3FB2]  }
0x2c: {  	s7 =	sld [smem:$0x3FB3]  }
0x2d: {  	s3 =	simm.s32 $0x108;
	s8 =	sld [smem:$0x3FB4]  }
0x2e: {  	s3 =	simm.s32 @!p0 $0x1082;
	s9 =	sld [smem:$0x3FB5]  }
0x2f: {  	lr =	sadd.s32 s0, s3;
	s0 =	sld [smem:$0x3FAC]  }
0x30: {  	s3 =	sld [smem:$0x3FAF]  }
0x31: {  	[smem:$0x3FB8] =	sst s10  }
0x32: {  	s10 =	sld [smem:$0x3FB6];
	_ =	sdelay $0x3  }
0x33: {  	p0 =	seq.s32 s10, $0x1;
	s10 =	sld [smem:$0x3FB8];
	_ =	sdelay $0x3  }
0x34: {  	[smem:$0x3FB8] =	sst s10  }
0x35: {  	s10 =	sld [smem:$0x3FB7];
	_ =	sdelay $0x3  }
0x36: {  	p1 =	seq.s32 s10, $0x1;
	s10 =	sld [smem:$0x3FB8];
	_ =	sdelay $0x3  }
0x37: {  	[smem:$0x3FB8] =	sst s10  }
0x38: {  	s10 =	sld [smem:$0x3FB9]  }
0x39: {  	_ = 	snop;
	(pc) =	sbr.ind lr, $3  }
0x3a: {  	_ = 	snop  }
0x3b: {  	_ = 	snop  }
0x3c: {  	p2 =	seq.s32 s10, $0x1;
	s10 =	sld [smem:$0x3FB8]  }
0x3d: {  	_ =	shalt  }
0x3e: {  	_ =	shalt  }
0x3f: {  	_ =	shalt  }
0x40: {  	_ =	shalt  }
0x41: {  	_ =	shalt  }
0x42: {  	_ =	shalt  }
0x43: {  	_ =	shalt  }
0x44: {  	_ =	shalt  }
0x45: {  	_ =	shalt  }
0x46: {  	_ =	shalt  }
0x47: {  	_ =	shalt  }
0x48: {  	_ =	shalt  }
0x49: {  	_ =	shalt  }
0x4a: {  	_ =	shalt  }
0x4b: {  	_ =	shalt  }
0x4c: {  	_ =	shalt  }
0x4d: {  	_ =	shalt  }
0x4e: {  	_ =	shalt  }
0x4f: {  	_ =	shalt  }
0x50: {  	_ =	shalt  }
0x51: {  	_ =	shalt  }
0x52: {  	_ =	shalt  }
0x53: {  	_ =	shalt  }
0x54: {  	_ =	shalt  }
0x55: {  	_ =	shalt  }
0x56: {  	_ =	shalt  }
0x57: {  	_ =	shalt  }
0x58: {  	_ =	shalt  }
0x59: {  	_ =	shalt  }
0x5a: {  	_ =	shalt  }
0x5b: {  	_ =	shalt  }
0x5c: {  	_ =	shalt  }
0x5d: {  	_ =	shalt  }
0x5e: {  	_ =	shalt  }
0x5f: {  	_ =	shalt  }
0x60: {  	_ =	shalt  }
0x61: {  	_ =	shalt  }
0x62: {  	_ =	shalt  }
0x63: {  	_ =	shalt  }
0x64: {  	_ =	shalt  }
0x65: {  	_ =	shalt  }
0x66: {  	_ =	shalt  }
0x67: {  	_ =	shalt  }
0x68: {  	_ =	shalt  }
0x69: {  	_ =	shalt  }
0x6a: {  	_ =	shalt  }
0x6b: {  	_ =	shalt  }
0x6c: {  	_ =	shalt  }
0x6d: {  	_ =	shalt  }
0x6e: {  	_ =	shalt  }
0x6f: {  	_ =	shalt  }
0x70: {  	_ =	shalt  }
0x71: {  	_ =	shalt  }
0x72: {  	_ =	shalt  }
0x73: {  	_ =	shalt  }
0x74: {  	_ =	shalt  }
0x75: {  	_ =	shalt  }
0x76: {  	_ =	shalt  }
0x77: {  	_ =	shalt  }
0x78: {  	_ =	shalt  }
0x79: {  	_ =	shalt  }
0x7a: {  	_ =	shalt  }
0x7b: {  	_ =	shalt  }
0x7c: {  	_ =	shalt  }
0x7d: {  	_ =	shalt  }
0x7e: {  	_ =	shalt  }
0x7f: {  	_ =	shalt  }
0x80: {  	_ =	shalt  }
0x81: {  	_ =	shalt  }
0x82: {  	_ =	shalt  }
0x83: {  	_ =	shalt  }
0x84: {  	_ =	shalt  }
0x85: {  	_ =	shalt  }
0x86: {  	_ =	shalt  }
0x87: {  	_ =	shalt  }
.Lfunc_end0:
.L_simem_size_0:
called_computation_lowered:
.L_overlay_start_0:
0x88: {  	s2 =	sld [smem:$0x3FD9]  }
0x89: {  	s3 =	sld [smem:$0x3FFE];
	_ =	sdelay $0x1  }
0x8a: {  	s1 =	srdreg.scid  }
0x8b: {  	s0 =	sand.u32 $0x1, s1  }
0x8c: {  	s16 =	sshll.u32 s0, $0xA;
	s2 =	sadd.s32 s3, s2  }
0x8d: {  	s2 =	sadd.s32 s2, s16  }
0x8e: {  	[smem:$0x3FC4] =	sst s2  }
0x8f: {  	_ = 	snop  }
0x90: {  	(tm) =	ssettm $0x1  }
0x91: {  	s17 =	sld [smem:$0x3FFB];
	_ =	sdelay $0x3  }
0x92: {  	_ =	strace s17  }
0x93: {  	s2 =	sld [smem:$0x3FFC];
	_ =	sdelay $0x3  }
0x94: {  	_ =	strace s2  }
0x95: {  	s2 =	sld [smem:$0x3FFD];
	_ =	sdelay $0x3  }
0x96: {  	_ =	strace s2  }
0x97: {  	_ =	strace $0x8FFFFFFF  }
0x98: {  	s18 =	sld [smem:$0x3FDB];
	_ =	sdelay $0x1  }
0x99: {  	s19 =	simm.s32 $_scs_section_size  }
0x9a: {  	s4 =	simm.s32 $_size__tile_overlayer_lowered;
	s5 =	simm.s32 $_tile_overlayer_lowered  }
0x9b: {  	s22 =	simm.s32 $0x1BFF;
	s21 =	sshll.u32 s5, $0x1;
	s2 =	sadd.s32 s19, s18  }
0x9c: {  	s6 =	simm.s32 $0x0;
	s20 =	sshll.u32 s4, $0x1;
	s4 =	sadd.s32 s21, s2  }
0x9d: {  	[timem:s6], [sflag:s22] =	dma.local [hbm:s4], s20  }
0x9e: {  	_ =	swait.ge [sflag:s22], s20  }
0x9f: {  	s3 =	ssub.s32 $0x0, s20;
	[sflag:s22] =	ssyncset.done $0x0  }
0xa0: {  	[sflag:s22] =	ssyncadd.s32 s3;
	_ =	sdelay $0x1  }
0xa1: {  	s23 =	simm.s32 $0x1B8B  }
0xa2: {  	_ =	swait.ge [sflag:s23], $0x1  }
0xa3: {  	[sflag:s23] =	ssyncset.done $0x0  }
0xa4: {  	s25 =	simm.s32 $0x1B8E;
	s24 =	sld [smem:$0x3FFE];
	[sflag:s23] =	ssyncadd.s32 $0xFFFFFFFF  }
0xa5: {  	s26 =	simm.s32 $execute0_lowered;
	[smem:$0x3FD2] =	sst s25  }
0xa6: {  	s4 =	sshll.u32 s26, $0x1;
	_ =	strace $0x80000046;
	[dreg:$0x1] =	wrdreg $0xFFFFFFFF  }
0xa7: {  	s28 =	simm.s32 $_size_execute0_lowered;
	s2 =	sadd.s32 s2, s4;
	[dreg:$0x0] =	wrdreg $0x0  }
0xa8: {  	s4 =	sshll.u32 s28, $0x1;
	[dreg:$0x2] =	wrdreg s2  }
0xa9: {  	[dreg:$0x3] =	wrdreg s4  }
0xaa: {  	[dreg:$0x4] =	wrdreg $0xC0  }
0xab: {  	_ =	task [dreg:s6], $0x5FFFF  }
0xac: {  	[dreg:$0x1] =	wrdreg $0xFFFFFFFF  }
0xad: {  	[dreg:$0x0] =	wrdreg $0x60  }
0xae: {  	[dreg:$0x2] =	wrdreg s24  }
0xaf: {  	[dreg:$0x3] =	wrdreg $0x9  }
0xb0: {  	_ =	task.clear_ibuf [dreg:s6], $0x4FFFF;
	_ =	strace $0x90000046  }
0xb1: {  	s29 =	simm.s32 $0x9;
	_ =	strace $0x80000048  }
0xb2: {  	_ =	swait.ge [sflag:s29], $0x1  }
0xb3: {  	[sflag:s29] =	ssyncadd.s32 $0xFFFFFFFF  }
0xb4: {  	_ =	strace $0x90000048  }
0xb5: {  	_ =	sfence  }
0xb6: {  	s30 =	sld [smem:$0x0];
	_ =	sdelay $0x2  }
0xb7: {  	s31 =	sshll.u32 s1, $0xD;
	s1 =	sshrl.u32 s1, $0x2  }
0xb8: {  	s3 =	sand.u32 $0x4000, s31;
	s1 =	sadd.s32 s1, s30  }
0xb9: {  	s0 =	sor.u32 s3, s0;
	s1 =	sshll.u32 s1, $0x11  }
0xba: {  	s0 =	sor.u32 s1, s0  }
0xbb: {  	s0 =	sadd.s32 $0x8F2B, s0  }
0xbc: {  	[sflag:s0] =	ssyncadd.remote.s32 $0x1  }
0xbd: {  	_ =	sfence.sel $0xFFFF  }
0xbe: {  	[dreg:$0x0] =	wrdreg $0xFFFFFFFF;
	(pc) =	sbr.abs _section_cstart, $3  }
0xbf: {  	[dreg:$0x1] =	wrdreg $0xFFFFFFFF  }
0xc0: {  	_ =	task.clear_ibuf [dreg:s6], $0x2FFFF;
	_ =	strace $0x9FFFFFFF  }
0xc1: {  	(tm) =	ssettm $0x7FFFFFFF  }
tec
execute0_lowered:
.L_overlay_start_1:
0x0: {  	(tag) =	ssettag $0x1  }
0x1: {  	s1 =	rddreg [dreg:$0x0]  }
0x2: {  	s2 =	srdreg.scid;
	s0 =	rddreg [dreg:$0x1];
	s3 =	simm.s32 $0x0  }
0x3: {  	s11 =	simm.s32 $0x101A0;
	s12 =	simm.s32 $0x1;
	s13 =	simm.s32 $0x2  }
0x4: {  	s14 =	simm.s32 $0x3;
	s5 =	sand.u32 $0x1, s2;
	s2 =	stileid.u32  }
0x5: {  	s15 =	simm.s32 $0x0;
	[smem:$0x7FF] =	sst s3;
	s4 =	smul.u32 $0x7D000, s5  }
0x6: {  	s6 =	smul.u32 $0x7D00, s2;
	_ =	strace $0x80000047;
	s8 =	ssub.s32 $0x2, s5  }
0x7: {  	s7 =	sshll.u32 s2, $0xD;
	s31 =	sshll.u32 s5, $0x11;
	s30 =	sshrl.u32 s8, $0x1  }
0x8: {  	s7 =	sadd.s32 s7, s1;
	s9 =	sadd.s32 s6, s4;
	s10 =	ssub.s32 s8, s30  }
0x9: {  	s8 =	sadd.s32 s31, s7;
	s6 =	sshrl.u32 s9, $0x3;
	s7 =	sadd.s32 $0x2EE0, s9  }
0xa: {  	s8 =	sadd.s32 $0x1F400, s8;
	s4 =	sadd.s32 s1, s6;
	s6 =	sadd.s32 $0x1F40, s9  }
0xb: {  	v0 =	vimm.s32 $0x0;
	v1 =	vimm.s32 $0x1;
	s9 =	smax.u32 s10, $0x1;
	s10 =	simm.s32 $0xF200;
	s5 =	sadd.s32 $0x1F4, s4  }
.LBB2_1:
0xc: {  	[tilespmem:s10], [sflag:$0x1] =	stream.linear.gather [hbm4b:s4+s3], $0xFA0, $0x38;
	[tilespmem:$0x11180] =	vst v63  }
0xd: {  	s16 =	simm.s32 $0x100;
	s17 =	simm.s32 $0x0  }
0xe: {  	[tilespmem:s11], [sflag:$0x2] =	stream.linear.gather [hbm4b:s5+s3], $0xFA0, $0x38;
	[tilespmem:$0x11180] =	vst v63  }
.LBB2_2:
0xf: {  	p0 =	sne.s32 s16, $0x3C700;
	[tilespmem:s17+$0x30] =	vst v0;
	s18 =	smov.u32 s16;
	s16 =	sadd.s32 $0x100, s16  }
.Ltmp0:
0x10: {  	[tilespmem:s17+$0x20] =	vst v0;
	(pc) =	sbr.rel @p0 .LBB2_2-.Ltmp0, $3  }
0x11: {  	[tilespmem:s17+$0x0] =	vst v0  }
0x12: {  	[tilespmem:s17+$0x10] =	vst v0;
	_ =	sdelay $0x1  }
0x13: {  	s17 =	sshra.s32 s18, $0x2  }
0x14: {  	[tilespmem:s17+$0x30] =	vst v0  }
0x15: {  	[tilespmem:s17+$0x20] =	vst v0  }
0x16: {  	[tilespmem:s17+$0x0] =	vst v0  }
0x17: {  	s16 =	simm.s32 $0x0;
	[tilespmem:s17+$0x10] =	vst v0  }
.LBB2_4:
0x18: {  	_ =	swait.ge [sflag:s12], $0xFA0  }
0x19: {  	[sflag:s12] =	ssyncset.done $0x0  }
0x1a: {  	s17 =	simm.s32 $0x0;
	[sflag:s12] =	ssyncadd.s32 $0xFFFFF060  }
.LBB2_5:
0x1b: {  	s18 =	sshra.s32 s17, $0x2  }
0x1c: {  	v2 =	vld [tilespmem:s18+$0xF200];
	_ =	sdelay $0x4  }
0x1d: {  	v3 =	vand.u32 $0xFFFF, v2  }
0x1e: {  	v2 =	vshrl.u32 v2, $0x10;
	_ =	sdelay $0x3  }
0x1f: {  	[tilespmem:v3+s3+$0x0] =	vst.idx.add.s32.msk $0xffff, v1  }
0x20: {  	[tilespmem:v2+s3+$0x0] =	vst.idx.add.s32.msk $0xffff, v1  }
0x21: {  	v2 =	vld [tilespmem:s18+$0xF210];
	_ =	sdelay $0x4  }
0x22: {  	v3 =	vand.u32 $0xFFFF, v2  }
0x23: {  	v2 =	vshrl.u32 v2, $0x10;
	_ =	sdelay $0x3  }
0x24: {  	[tilespmem:v3+s3+$0x0] =	vst.idx.add.s32.msk $0xffff, v1  }
0x25: {  	[tilespmem:v2+s3+$0x0] =	vst.idx.add.s32.msk $0xffff, v1  }
0x26: {  	v2 =	vld [tilespmem:s18+$0xF220];
	_ =	sdelay $0x4  }
0x27: {  	v3 =	vand.u32 $0xFFFF, v2  }
0x28: {  	v2 =	vshrl.u32 v2, $0x10;
	_ =	sdelay $0x3  }
0x29: {  	[tilespmem:v3+s3+$0x0] =	vst.idx.add.s32.msk $0xffff, v1  }
0x2a: {  	[tilespmem:v2+s3+$0x0] =	vst.idx.add.s32.msk $0xffff, v1  }
0x2b: {  	v2 =	vld [tilespmem:s18+$0xF230];
	_ =	sdelay $0x4  }
0x2c: {  	v3 =	vand.u32 $0xFFFF, v2  }
0x2d: {  	v2 =	vshrl.u32 v2, $0x10;
	_ =	sdelay $0x3  }
0x2e: {  	[tilespmem:v3+s3+$0x0] =	vst.idx.add.s32.msk $0xffff, v1  }
0x2f: {  	[tilespmem:v2+s3+$0x0] =	vst.idx.add.s32.msk $0xffff, v1  }
0x30: {  	v2 =	vld [tilespmem:s18+$0xF240];
	_ =	sdelay $0x4  }
0x31: {  	v3 =	vand.u32 $0xFFFF, v2  }
0x32: {  	p0 =	sne.s32 s17, $0x3D40;
	v2 =	vshrl.u32 v2, $0x10  }
.Ltmp1:
0x33: {  	_ = 	snop;
	(pc) =	sbr.rel @p0 .LBB2_5-.Ltmp1, $3  }
0x34: {  	_ =	sdelay $0x1  }
0x35: {  	[tilespmem:v3+s3+$0x0] =	vst.idx.add.s32.msk $0xffff, v1  }
0x36: {  	s17 =	sadd.s32 $0x140, s17;
	[tilespmem:v2+s3+$0x0] =	vst.idx.add.s32.msk $0xffff, v1  }
0x37: {  	s17 =	sshll.u32 s16, $0x1  }
0x38: {  	s18 =	smin.u32 s17, $0x5  }
0x39: {  	s18 =	smul.u32 $0xFA0, s18;
	_ =	sdelay $0x1  }
0x3a: {  	s18 =	sadd.s32 s18, s6  }
0x3b: {  	s18 =	sshrl.u32 s18, $0x3  }
0x3c: {  	s19 =	sadd.s32 s1, s18;
	s18 =	simm.s32 $0x0  }
0x3d: {  	[tilespmem:s10], [sflag:$0x1] =	stream.linear.gather [hbm4b:s19+s18], $0xFA0, $0x38;
	[tilespmem:$0x11180] =	vst v63  }
0x3e: {  	_ =	swait.ge [sflag:s13], $0xFA0  }
0x3f: {  	[sflag:s13] =	ssyncset.done $0x0  }
0x40: {  	[sflag:s13] =	ssyncadd.s32 $0xFFFFF060  }
.LBB2_7:
0x41: {  	s19 =	sshra.s32 s18, $0x2  }
0x42: {  	v2 =	vld [tilespmem:s19+$0x101A0];
	_ =	sdelay $0x4  }
0x43: {  	v3 =	vand.u32 $0xFFFF, v2  }
0x44: {  	v2 =	vshrl.u32 v2, $0x10;
	_ =	sdelay $0x3  }
0x45: {  	[tilespmem:v3+s3+$0x0] =	vst.idx.add.s32.msk $0xffff, v1  }
0x46: {  	[tilespmem:v2+s3+$0x0] =	vst.idx.add.s32.msk $0xffff, v1  }
0x47: {  	v2 =	vld [tilespmem:s19+$0x101B0];
	_ =	sdelay $0x4  }
0x48: {  	v3 =	vand.u32 $0xFFFF, v2  }
0x49: {  	v2 =	vshrl.u32 v2, $0x10;
	_ =	sdelay $0x3  }
0x4a: {  	[tilespmem:v3+s3+$0x0] =	vst.idx.add.s32.msk $0xffff, v1  }
0x4b: {  	[tilespmem:v2+s3+$0x0] =	vst.idx.add.s32.msk $0xffff, v1  }
0x4c: {  	v2 =	vld [tilespmem:s19+$0x101C0];
	_ =	sdelay $0x4  }
0x4d: {  	v3 =	vand.u32 $0xFFFF, v2  }
0x4e: {  	v2 =	vshrl.u32 v2, $0x10;
	_ =	sdelay $0x3  }
0x4f: {  	[tilespmem:v3+s3+$0x0] =	vst.idx.add.s32.msk $0xffff, v1  }
0x50: {  	[tilespmem:v2+s3+$0x0] =	vst.idx.add.s32.msk $0xffff, v1  }
0x51: {  	v2 =	vld [tilespmem:s19+$0x101D0];
	_ =	sdelay $0x4  }
0x52: {  	v3 =	vand.u32 $0xFFFF, v2  }
0x53: {  	v2 =	vshrl.u32 v2, $0x10;
	_ =	sdelay $0x3  }
0x54: {  	[tilespmem:v3+s3+$0x0] =	vst.idx.add.s32.msk $0xffff, v1  }
0x55: {  	[tilespmem:v2+s3+$0x0] =	vst.idx.add.s32.msk $0xffff, v1  }
0x56: {  	v2 =	vld [tilespmem:s19+$0x101E0];
	_ =	sdelay $0x4  }
0x57: {  	v3 =	vand.u32 $0xFFFF, v2  }
0x58: {  	p0 =	sne.s32 s18, $0x3D40;
	v2 =	vshrl.u32 v2, $0x10  }
.Ltmp2:
0x59: {  	_ = 	snop;
	(pc) =	sbr.rel @p0 .LBB2_7-.Ltmp2, $3  }
0x5a: {  	_ =	sdelay $0x1  }
0x5b: {  	[tilespmem:v3+s3+$0x0] =	vst.idx.add.s32.msk $0xffff, v1  }
0x5c: {  	s18 =	sadd.s32 $0x140, s18;
	[tilespmem:v2+s3+$0x0] =	vst.idx.add.s32.msk $0xffff, v1  }
0x5d: {  	s17 =	smin.u32 s17, $0x4;
	s16 =	sadd.s32 $0x1, s16  }
0x5e: {  	s17 =	smul.u32 $0xFA0, s17;
	p0 =	sne.s32 s16, $0x4  }
.Ltmp3:
0x5f: {  	_ = 	snop;
	(pc) =	sbr.rel @p0 .LBB2_4-.Ltmp3, $4  }
0x60: {  	s17 =	sadd.s32 s17, s7  }
0x61: {  	s17 =	sshrl.u32 s17, $0x3  }
0x62: {  	s17 =	sadd.s32 s1, s17  }
0x63: {  	[tilespmem:s11], [sflag:$0x2] =	stream.linear.gather [hbm4b:s17+s3], $0xFA0, $0x38;
	[tilespmem:$0x11180] =	vst v63  }
0x64: {  	_ =	swait.ge [sflag:s12], $0xFA0  }
0x65: {  	[sflag:s12] =	ssyncset.done $0x0  }
0x66: {  	[sflag:s12] =	ssyncadd.s32 $0xFFFFF060  }
0x67: {  	s15 =	sadd.s32 $0x1, s15;
	_ =	swait.ge [sflag:s13], $0xFA0  }
0x68: {  	p0 =	sne.s32 s15, s9;
	[sflag:s13] =	ssyncset.done $0x0  }
.Ltmp4:
0x69: {  	[sflag:s13] =	ssyncadd.s32 $0xFFFFF060;
	(pc) =	sbr.rel @p0 .LBB2_1-.Ltmp4, $4  }
0x6a: {  	[hbm4b:s8+s3] =	stream.linear.scatter [tilespmem:s3], [sflag:$0x3], $0xF200, $0x38;
	[tilespmem:$0x11180] =	vst v63  }
0x6b: {  	_ =	swait.ge [sflag:s14], $0xF200  }
0x6c: {  	[sflag:s14] =	ssyncset.done $0x0  }
0x6d: {  	[sflag:s14] =	ssyncadd.s32 $0xFFFF0E00  }
0x6e: {  	_ =	sfence.sel $0x180000  }
0x6f: {  	[bflag:$0x0] =	sbarrier.arrive $0xFFFF  }
0x70: {  	p0 =	sne.s32 s2, $0x0;
	_ =	strace $0x90000047  }
0x71: {  	s0 =	sadd.s32 @!p0 $0x100000, s0;
	[bflag:$0x2] =	sbarrier.arrive $0xFFFF  }
0x72: {  	[sflag:s0] =	ssyncadd.tile.s32 @!p0 $0x1;
	_ =	shalt  }
.Lfunc_end2:
_tile_overlayer_lowered:
.L_overlay_start_2:
0x73: {  	(tag) =	ssettag $0x2  }
0x74: {  	s0 =	rddreg [dreg:$0x0];
	s2 =	stileid.u32  }
0x75: {  	s1 =	rddreg [dreg:$0x1];
	p0 =	sne.s32 s2, $0x0  }
0x76: {  	s3 =	rddreg [dreg:$0x2];
	[bflag:$0x3] =	sbarrier.arrive $0xFFFF;
	s2 =	simm.s32 @!p0 $0x1C03  }
0x77: {  	[timem:s3], [sflag:s2] =	dma.local @!p0 [hbm:s0], s1  }
0x78: {  	s0 =	simm.s32 @!p0 $0x3  }
0x79: {  	_ =	swait.ge @!p0 [sflag:s0], s1  }
0x7a: {  	s1 =	ssub.s32 @!p0 $0x0, s1;
	[sflag:s0] =	ssyncset.done @!p0 $0x0  }
0x7b: {  	[sflag:s0] =	ssyncadd.s32 @!p0 s1  }
0x7c: {  	[bflag:$0x3] =	sbarrier.arrive $0xFFFF  }
0x7d: {  	_ =	shalt  }

</sc_bundles>
